<compile_context>
chip_gen: v7x
topology: tpu7x:2x2x1
jax: 0.10.2.dev20260603
libtpu: 0.0.44.dev20260713+nightly
codegen_flags: <defaults>
</compile_context>

<pallas_src>
import functools

import jax
import jax.numpy as jnp
from jax import lax
from jax.experimental import pallas as pl
from jax.experimental.pallas import tpu as pltpu
from jax.experimental.pallas import tpu_sc as plsc

_M = 100000
_D = 512
_B = 16384
_C = 1000
_CP = 1024

_NC = 2
_NS = 16
_NW = _NC * _NS
_WCOPY = 25
_R = 4000
_BPW = _B // _NW
_CHUNK = 96
_MBLK = 2000
_LISTPAD = _R + _CHUNK + 16

def _i16():
    return lax.broadcasted_iota(jnp.int32, (16,), 0)


def _take16(vec, ind):
    return lax.gather(
        vec, ind[:, None],
        lax.GatherDimensionNumbers(offset_dims=(), collapsed_slice_dims=(0,),
                                   start_index_map=(0,)),
        (1,), mode=lax.GatherScatterMode.PROMISE_IN_BOUNDS)


def _sc_update_kernel(by, bu, x, y, idx, unc,
                      nbx, nby, nbu, hist, win,
                      idx_v, y_v, u_v, by_v, bu_v, win_v,
                      wl_v, rl_v, wl96, rl96, rows_v, lab_v, hist_v,
                      sem_io):
    wid = lax.axis_index("s") * _NC + lax.axis_index("c")
    lo = wid * _R

    is_range = wid < _WCOPY

    pltpu.sync_copy(idx, idx_v)
    pltpu.sync_copy(y, y_v)
    pltpu.sync_copy(unc, u_v)

    def _hist_zero(k, _):
        hist_v[pl.ds(k * 16, 16)] = jnp.zeros((16,), jnp.int32)
        return 0
    lax.fori_loop(0, _CP // 16, _hist_zero, 0, unroll=4)

    ibase = wid * _BPW
    nchunks = _BPW // 128
    for c in range(nchunks):
        off = ibase + c * 128
        pltpu.sync_copy(by.at[idx_v.at[pl.ds(off, 128)]], lab_v)

        def _hist_acc(k, _):
            mall = jnp.full((16,), True)
            lab = lab_v[pl.ds(k * 16, 16)]
            plsc.addupdate_scatter(hist_v, [lab],
                                   jnp.full((16,), -1, jnp.int32), mask=mall)
            yy = y_v[pl.ds(off + k * 16, 16)]
            plsc.addupdate_scatter(hist_v, [yy],
                                   jnp.ones((16,), jnp.int32), mask=mall)
            return 0
        lax.fori_loop(0, 8, _hist_acc, 0, unroll=2)

    pltpu.sync_copy(hist_v, hist.at[wid])

    @pl.when(is_range)
    def _():
        def _win_init(k, _):
            win_v[pl.ds(k * 16, 16)] = jnp.full((16,), -1, jnp.int32)
            return 0
        lax.fori_loop(0, _R // 16, _win_init, 0, unroll=4)

        shift_up = jnp.minimum(_i16() + 1, 15)

        def _win_build(k, _):
            v = idx_v[pl.ds(k * 16, 16)]
            rel = v - lo
            valid = (rel >= 0) & (rel < _R)
            ival = k * 16 + _i16()
            comp = jnp.where(valid, rel * _B + ival, jnp.int32(0x7FFFFFFF))
            scomp = lax.sort(comp)
            nxt = _take16(scomp, shift_up)
            srel = lax.shift_right_logical(scomp, 14)
            keep = ((srel != lax.shift_right_logical(nxt, 14)) | (_i16() == 15))
            keep = keep & (scomp != jnp.int32(0x7FFFFFFF))
            srel_c = jnp.where(keep, srel, 0)
            sival = jnp.where(keep, scomp & (_B - 1), 0)
            plsc.store_scatter(win_v, [srel_c], sival, mask=keep)
            return 0
        lax.fori_loop(0, _B // 16, _win_build, 0, unroll=2)

        pltpu.sync_copy(by.at[pl.ds(lo, _R)], by_v)
        pltpu.sync_copy(bu.at[pl.ds(lo, _R)], bu_v)

        def _merge(k, off):
            w = win_v[pl.ds(k * 16, 16)]
            m = w >= 0
            ws = jnp.where(m, w, 0)
            yw = plsc.load_gather(y_v, [ws], mask=m)
            uw = plsc.load_gather(u_v, [ws], mask=m)
            by_v[pl.ds(k * 16, 16)] = jnp.where(m, yw, by_v[pl.ds(k * 16, 16)])
            bu_v[pl.ds(k * 16, 16)] = jnp.where(m, uw, bu_v[pl.ds(k * 16, 16)])
            plsc.store_compressed(wl_v.at[pl.ds(off, 16)], ws, mask=m)
            plsc.store_compressed(rl_v.at[pl.ds(off, 16)],
                                  lo + k * 16 + _i16(), mask=m)
            return off + jnp.sum(m.astype(jnp.int32))
        nw = lax.fori_loop(0, _R // 16, _merge, jnp.int32(0))

        pltpu.sync_copy(by_v, nby.at[pl.ds(lo, _R)])
        pltpu.sync_copy(bu_v, nbu.at[pl.ds(lo, _R)])
        pltpu.sync_copy(win_v, win.at[pl.ds(lo, _R)])

        @pl.when(nw > 0)
        def _():
            lastw = wl_v[pl.ds(nw - 1, 16)]
            lastr = rl_v[pl.ds(nw - 1, 16)]
            z16 = jnp.zeros((16,), jnp.int32)
            padw = _take16(lastw, z16)
            padr = _take16(lastr, z16)
            for t in range(_CHUNK // 16):
                wl_v[pl.ds(nw + t * 16, 16)] = padw
                rl_v[pl.ds(nw + t * 16, 16)] = padr

        nc = (nw + _CHUNK - 1) // _CHUNK

        def _scatter(c, _):
            base = c * _CHUNK
            for t in range(_CHUNK // 16):
                wl96[pl.ds(t * 16, 16)] = wl_v[pl.ds(base + t * 16, 16)]
                rl96[pl.ds(t * 16, 16)] = rl_v[pl.ds(base + t * 16, 16)]
            pltpu.async_copy(x.at[wl96], rows_v, sem_io).wait()
            pltpu.async_copy(rows_v, nbx.at[rl96], sem_io).wait()
            return 0
        lax.fori_loop(0, nc, _scatter, 0)


def _tc_merge_kernel(bx_ref, scat_ref, win_ref, out_ref):
    mask = win_ref[...] >= 0
    out_ref[...] = jnp.where(mask, scat_ref[...], bx_ref[...])


def _sc_combine_kernel(hist, cc, out, pv, ccv, sem):
    wid = lax.axis_index("s") * _NC + lax.axis_index("c")
    col = wid * (_CP // _NW)

    def _row(r, acc):
        pltpu.sync_copy(hist.at[r, pl.ds(col, 32)], pv)
        return (acc[0] + pv[pl.ds(0, 16)], acc[1] + pv[pl.ds(16, 16)])
    acc = lax.fori_loop(
        0, _NW, _row,
        (jnp.zeros((16,), jnp.int32), jnp.zeros((16,), jnp.int32)))

    pltpu.sync_copy(cc.at[pl.ds(col, 32)], ccv)
    ccv[pl.ds(0, 16)] = ccv[pl.ds(0, 16)] + acc[0]
    ccv[pl.ds(16, 16)] = ccv[pl.ds(16, 16)] + acc[1]
    pltpu.sync_copy(ccv, out.at[pl.ds(col, 32)])


def kernel(bx, by, bu, class_counts, x, y, idx, uncertainty):
    mesh = plsc.VectorSubcoreMesh(core_axis_name="c", subcore_axis_name="s")

    update = pl.kernel(
        _sc_update_kernel,
        mesh=mesh,
        compiler_params=pltpu.CompilerParams(needs_layout_passes=False),
        out_type=[
            jax.ShapeDtypeStruct((_M, _D), jnp.float32),
            jax.ShapeDtypeStruct((_M,), jnp.int32),
            jax.ShapeDtypeStruct((_M,), jnp.float32),
            jax.ShapeDtypeStruct((_NW, _CP), jnp.int32),
            jax.ShapeDtypeStruct((_M,), jnp.int32),
        ],
        scratch_types=[
            pltpu.VMEM((_B,), jnp.int32),
            pltpu.VMEM((_B,), jnp.int32),
            pltpu.VMEM((_B,), jnp.float32),
            pltpu.VMEM((_R,), jnp.int32),
            pltpu.VMEM((_R,), jnp.float32),
            pltpu.VMEM((_R,), jnp.int32),
            pltpu.VMEM((_LISTPAD,), jnp.int32),
            pltpu.VMEM((_LISTPAD,), jnp.int32),
            pltpu.VMEM((_CHUNK,), jnp.int32),
            pltpu.VMEM((_CHUNK,), jnp.int32),
            pltpu.VMEM((_CHUNK, _D), jnp.float32),
            pltpu.VMEM((128,), jnp.int32),
            pltpu.VMEM((_CP,), jnp.int32),
            pltpu.SemaphoreType.DMA,
        ],
    )
    bx_scat, new_by, new_bu, hist, win = update(by, bu, x, y, idx, uncertainty)

    merge_tc = pl.pallas_call(
        _tc_merge_kernel,
        grid=(_M // _MBLK,),
        in_specs=[
            pl.BlockSpec((_MBLK, _D), lambda i: (i, 0)),
            pl.BlockSpec((_MBLK, _D), lambda i: (i, 0)),
            pl.BlockSpec((_MBLK, 1), lambda i: (i, 0)),
        ],
        out_specs=pl.BlockSpec((_MBLK, _D), lambda i: (i, 0)),
        out_shape=jax.ShapeDtypeStruct((_M, _D), jnp.float32),
    )
    new_bx = merge_tc(bx, bx_scat, win.reshape(_M, 1))

    combine = pl.kernel(
        _sc_combine_kernel,
        mesh=mesh,
        compiler_params=pltpu.CompilerParams(needs_layout_passes=False),
        out_type=jax.ShapeDtypeStruct((_CP,), jnp.int32),
        scratch_types=[
            pltpu.VMEM((32,), jnp.int32),
            pltpu.VMEM((32,), jnp.int32),
            pltpu.SemaphoreType.DMA,
        ],
    )
    cc_pad = jnp.pad(class_counts, (0, _CP - _C))
    new_cc = combine(hist, cc_pad)[: _C]

    return (new_bx, new_by, new_bu, new_cc)

# --- scband reference (transcript-rebuilt; emitter-appended) ---
"""Pipeline reference for scband-buffer-89653147337185 (READ-ONLY COPY).

The authoritative reference and input builder live on the scoring server;
editing this copy changes nothing except your own understanding.
"""

import jax, jax.numpy as jnp
import numpy as np

M = 100000   # buffer_size
D = 512      # input_size
B = 16384    # write batch
C = 1000     # n_classes


def setup_inputs(seed: int = 0) -> dict:
    key = jax.random.key(seed)
    ks = jax.random.split(key, 8)
    bx = jax.random.normal(ks[0], (M, D), dtype=jnp.float32)
    by = jax.random.randint(ks[1], (M,), 0, C, dtype=jnp.int32)
    bu = jax.random.uniform(ks[2], (M,), dtype=jnp.float32)
    class_counts = jax.random.randint(ks[3], (C,), 0, 200, dtype=jnp.int32)
    x = jax.random.normal(ks[4], (B, D), dtype=jnp.float32)
    y = jax.random.randint(ks[5], (B,), 0, C, dtype=jnp.int32)
    idx = jax.random.randint(ks[6], (B,), 0, M, dtype=jnp.int32)
    uncertainty = jax.random.uniform(ks[7], (B,), dtype=jnp.float32)
    return {
        "bx": bx, "by": by, "bu": bu, "class_counts": class_counts,
        "x": x, "y": y, "idx": idx, "uncertainty": uncertainty,
    }


def reference(bx, by, bu, class_counts, x, y, idx, uncertainty):
    # Reservoir replace phase of Buffer.add_reservoir:
    #   self.bx[idx_buffer] = x ; self.by[idx_buffer] = y ; self.bu.index_copy_(0, idx, u)
    # gather old labels (needed for class-count bookkeeping / proto update)
    old_labels = jnp.take(by, idx, axis=0)
    # scatter-overwrite memory rows
    new_bx = bx.at[idx].set(x)
    new_by = by.at[idx].set(y)
    new_bu = bu.at[idx].set(uncertainty)
    # class count bookkeeping: decrement evicted labels, increment new labels
    dec_counts = jnp.bincount(old_labels, length=C)
    add_counts = jnp.bincount(y, length=C)
    new_class_counts = class_counts - dec_counts.astype(class_counts.dtype) + add_counts.astype(class_counts.dtype)
    return (new_bx, new_by, new_bu, new_class_counts)

if __name__ == "__main__":
    import jax
    _d = setup_inputs()
    print(jax.jit(kernel)(*tuple(_d.values())))

</pallas_src>

<mosaic_0001>
#map = affine_map<(d0, d1) -> (0, 0)>
#map1 = affine_map<(d0, d1) -> (0)>
module attributes {stable_mosaic.version = 14 : i64} {
  func.func @_sc_combine_kernel(%arg0: i32, %arg1: i32, %arg2: memref<32x1024xi32, #tpu.memory_space<hbm>>, %arg3: memref<1024xi32, #tpu.memory_space<hbm>>, %arg4: memref<1024xi32, #tpu.memory_space<hbm>>, %arg5: memref<32xi32, #tpu.memory_space<vmem>>, %arg6: memref<32xi32, #tpu.memory_space<vmem>>, %arg7: memref<!tpu.dma_semaphore, #tpu.memory_space<semaphore_mem>>) attributes {dimension_semantics = [#tpu.dimension_semantics<core_parallel>, #tpu.dimension_semantics<subcore_parallel>], iteration_bounds = array<i64: 2, 16>, scalar_prefetch = 0 : i64, scratch_operands = 3 : i64, tpu.core_type = #tpu.core_type<sc_vector_subcore>, window_params = [{transform_indices = #map}, {transform_indices = #map1}, {transform_indices = #map1}]} {
    %mul3A = arith.constant 2 : i32
    %mul3A_0 = arith.muli %arg1, %mul3A : i32
    %add3A = arith.addi %mul3A_0, %arg0 : i32
    %mul3A_1 = arith.constant 32 : i32
    %mul3A_2 = arith.muli %add3A, %mul3A_1 : i32
    %broadcast_in_dim3A = arith.constant 0 : i32
    %broadcast_in_dim3A_3 = vector.broadcast %broadcast_in_dim3A : i32 to vector<16xi32>
    %broadcast_in_dim3A_4 = arith.constant 0 : i32
    %broadcast_in_dim3A_5 = vector.broadcast %broadcast_in_dim3A_4 : i32 to vector<16xi32>
    %scan3A = arith.constant 0 : i32
    %scan3A_6 = arith.constant 32 : i32
    %scan3A_7 = arith.addi %scan3A, %scan3A_6 : i32
    %scan3A_8 = arith.constant 1 : i32
    %scan3A_9:2 = scf.for %scan3A_19 = %scan3A to %scan3A_7 step %scan3A_8 iter_args(%scan3A_20 = %broadcast_in_dim3A_3, %scan3A_21 = %broadcast_in_dim3A_5) -> (vector<16xi32>, vector<16xi32>)  : i32 {
      "tpu.region"() ({
        %run_scoped3A = tpu.sem_alloc : memref<!tpu.dma_semaphore, #tpu.memory_space<semaphore_mem>>
        %dma_start3A = tpu.memref_slice %arg2[%scan3A_19, %mul3A_2] : memref<32x1024xi32, #tpu.memory_space<hbm>> -> memref<1x32xi32, #tpu.memory_space<hbm>>
        %dma_start3A_28 = tpu.memref_squeeze %dma_start3A : memref<1x32xi32, #tpu.memory_space<hbm>> -> memref<32xi32, #tpu.memory_space<hbm>>
        %dma_start3A_29 = tpu.memref_slice %arg2[%scan3A_19, %mul3A_2] : memref<32x1024xi32, #tpu.memory_space<hbm>> -> memref<1x32xi32, #tpu.memory_space<hbm>>
        %dma_start3A_30 = tpu.memref_squeeze %dma_start3A_29 : memref<1x32xi32, #tpu.memory_space<hbm>> -> memref<32xi32, #tpu.memory_space<hbm>>
        tpu.enqueue_dma source(%dma_start3A_30 : memref<32xi32, #tpu.memory_space<hbm>>) target(%arg5 : memref<32xi32, #tpu.memory_space<vmem>>) target_semaphore(%run_scoped3A : memref<!tpu.dma_semaphore, #tpu.memory_space<semaphore_mem>>)
        %dma_wait3A = tpu.memref_slice %arg2[%scan3A_19, %mul3A_2] : memref<32x1024xi32, #tpu.memory_space<hbm>> -> memref<1x32xi32, #tpu.memory_space<hbm>>
        %dma_wait3A_31 = tpu.memref_squeeze %dma_wait3A : memref<1x32xi32, #tpu.memory_space<hbm>> -> memref<32xi32, #tpu.memory_space<hbm>>
        %dma_wait3A_32 = tpu.memref_slice %arg2[%scan3A_19, %mul3A_2] : memref<32x1024xi32, #tpu.memory_space<hbm>> -> memref<1x32xi32, #tpu.memory_space<hbm>>
        %dma_wait3A_33 = tpu.memref_squeeze %dma_wait3A_32 : memref<1x32xi32, #tpu.memory_space<hbm>> -> memref<32xi32, #tpu.memory_space<hbm>>
        tpu.wait_dma2 semaphore(%run_scoped3A : memref<!tpu.dma_semaphore, #tpu.memory_space<semaphore_mem>>) src(%dma_wait3A_33 : memref<32xi32, #tpu.memory_space<hbm>>) dst(%arg5 : memref<32xi32, #tpu.memory_space<vmem>>)
        tpu.yield
      }) : () -> ()
      %get3A_22 = arith.constant 0 : index
      %get3A_23 = tpu.vector_load %arg5[%get3A_22] {strides = array<i32>} : memref<32xi32, #tpu.memory_space<vmem>>, vector<16xi32>,
      %add3A_24 = arith.addi %scan3A_20, %get3A_23 : vector<16xi32>
      %get3A_25 = arith.constant 16 : index
      %get3A_26 = tpu.vector_load %arg5[%get3A_25] {strides = array<i32>} : memref<32xi32, #tpu.memory_space<vmem>>, vector<16xi32>,
      %add3A_27 = arith.addi %scan3A_21, %get3A_26 : vector<16xi32>
      scf.yield %add3A_24, %add3A_27 : vector<16xi32>, vector<16xi32>
    }
    %scan3A_10 = arith.constant 32 : i32
    "tpu.region"() ({
      %run_scoped3A = tpu.sem_alloc : memref<!tpu.dma_semaphore, #tpu.memory_space<semaphore_mem>>
      %dma_start3A = tpu.memref_slice %arg3[%mul3A_2] : memref<1024xi32, #tpu.memory_space<hbm>> -> memref<32xi32, #tpu.memory_space<hbm>>
      %dma_start3A_19 = tpu.memref_slice %arg3[%mul3A_2] : memref<1024xi32, #tpu.memory_space<hbm>> -> memref<32xi32, #tpu.memory_space<hbm>>
      tpu.enqueue_dma source(%dma_start3A_19 : memref<32xi32, #tpu.memory_space<hbm>>) target(%arg6 : memref<32xi32, #tpu.memory_space<vmem>>) target_semaphore(%run_scoped3A : memref<!tpu.dma_semaphore, #tpu.memory_space<semaphore_mem>>)
      %dma_wait3A = tpu.memref_slice %arg3[%mul3A_2] : memref<1024xi32, #tpu.memory_space<hbm>> -> memref<32xi32, #tpu.memory_space<hbm>>
      %dma_wait3A_20 = tpu.memref_slice %arg3[%mul3A_2] : memref<1024xi32, #tpu.memory_space<hbm>> -> memref<32xi32, #tpu.memory_space<hbm>>
      tpu.wait_dma2 semaphore(%run_scoped3A : memref<!tpu.dma_semaphore, #tpu.memory_space<semaphore_mem>>) src(%dma_wait3A_20 : memref<32xi32, #tpu.memory_space<hbm>>) dst(%arg6 : memref<32xi32, #tpu.memory_space<vmem>>)
      tpu.yield
    }) : () -> ()
    %get3A = arith.constant 0 : index
    %get3A_11 = tpu.vector_load %arg6[%get3A] {strides = array<i32>} : memref<32xi32, #tpu.memory_space<vmem>>, vector<16xi32>,
    %add3A_12 = arith.addi %get3A_11, %scan3A_9#0 : vector<16xi32>
    %swap3A = arith.constant 0 : index
    %swap3A_13 = tpu.vector_load %arg6[%swap3A] {strides = array<i32>} : memref<32xi32, #tpu.memory_space<vmem>>, vector<16xi32>,
    tpu.vector_store %arg6[%swap3A], %add3A_12 {strides = array<i32>} : memref<32xi32, #tpu.memory_space<vmem>>, vector<16xi32>,
    %get3A_14 = arith.constant 16 : index
    %get3A_15 = tpu.vector_load %arg6[%get3A_14] {strides = array<i32>} : memref<32xi32, #tpu.memory_space<vmem>>, vector<16xi32>,
    %add3A_16 = arith.addi %get3A_15, %scan3A_9#1 : vector<16xi32>
    %swap3A_17 = arith.constant 16 : index
    %swap3A_18 = tpu.vector_load %arg6[%swap3A_17] {strides = array<i32>} : memref<32xi32, #tpu.memory_space<vmem>>, vector<16xi32>,
    tpu.vector_store %arg6[%swap3A_17], %add3A_16 {strides = array<i32>} : memref<32xi32, #tpu.memory_space<vmem>>, vector<16xi32>,
    "tpu.region"() ({
      %run_scoped3A = tpu.sem_alloc : memref<!tpu.dma_semaphore, #tpu.memory_space<semaphore_mem>>
      %dma_start3A = tpu.memref_slice %arg4[%mul3A_2] : memref<1024xi32, #tpu.memory_space<hbm>> -> memref<32xi32, #tpu.memory_space<hbm>>
      %dma_start3A_19 = tpu.memref_slice %arg4[%mul3A_2] : memref<1024xi32, #tpu.memory_space<hbm>> -> memref<32xi32, #tpu.memory_space<hbm>>
      tpu.enqueue_dma source(%arg6 : memref<32xi32, #tpu.memory_space<vmem>>) target(%dma_start3A_19 : memref<32xi32, #tpu.memory_space<hbm>>) target_semaphore(%run_scoped3A : memref<!tpu.dma_semaphore, #tpu.memory_space<semaphore_mem>>)
      %dma_wait3A = tpu.memref_slice %arg4[%mul3A_2] : memref<1024xi32, #tpu.memory_space<hbm>> -> memref<32xi32, #tpu.memory_space<hbm>>
      %dma_wait3A_20 = tpu.memref_slice %arg4[%mul3A_2] : memref<1024xi32, #tpu.memory_space<hbm>> -> memref<32xi32, #tpu.memory_space<hbm>>
      tpu.wait_dma2 semaphore(%run_scoped3A : memref<!tpu.dma_semaphore, #tpu.memory_space<semaphore_mem>>) src(%arg6 : memref<32xi32, #tpu.memory_space<vmem>>) dst(%dma_wait3A_20 : memref<32xi32, #tpu.memory_space<hbm>>)
      tpu.yield
    }) : () -> ()
    return
  }
}

#map = affine_map<(d0, d1) -> (0)>
#map1 = affine_map<(d0, d1) -> (0, 0)>
module attributes {stable_mosaic.version = 14 : i64} {
  func.func @_sc_update_kernel(%arg0: i32, %arg1: i32, %arg2: memref<100000xi32, #tpu.memory_space<hbm>>, %arg3: memref<100000xf32, #tpu.memory_space<hbm>>, %arg4: memref<16384x512xf32, #tpu.memory_space<hbm>>, %arg5: memref<16384xi32, #tpu.memory_space<hbm>>, %arg6: memref<16384xi32, #tpu.memory_space<hbm>>, %arg7: memref<16384xf32, #tpu.memory_space<hbm>>, %arg8: memref<100000x512xf32, #tpu.memory_space<hbm>>, %arg9: memref<100000xi32, #tpu.memory_space<hbm>>, %arg10: memref<100000xf32, #tpu.memory_space<hbm>>, %arg11: memref<32x1024xi32, #tpu.memory_space<hbm>>, %arg12: memref<100000xi32, #tpu.memory_space<hbm>>, %arg13: memref<16384xi32, #tpu.memory_space<vmem>>, %arg14: memref<16384xi32, #tpu.memory_space<vmem>>, %arg15: memref<16384xf32, #tpu.memory_space<vmem>>, %arg16: memref<4000xi32, #tpu.memory_space<vmem>>, %arg17: memref<4000xf32, #tpu.memory_space<vmem>>, %arg18: memref<4000xi32, #tpu.memory_space<vmem>>, %arg19: memref<4112xi32, #tpu.memory_space<vmem>>, %arg20: memref<4112xi32, #tpu.memory_space<vmem>>, %arg21: memref<96xi32, #tpu.memory_space<vmem>>, %arg22: memref<96xi32, #tpu.memory_space<vmem>>, %arg23: memref<96x512xf32, #tpu.memory_space<vmem>>, %arg24: memref<128xi32, #tpu.memory_space<vmem>>, %arg25: memref<1024xi32, #tpu.memory_space<vmem>>, %arg26: memref<!tpu.dma_semaphore, #tpu.memory_space<semaphore_mem>>) attributes {dimension_semantics = [#tpu.dimension_semantics<core_parallel>, #tpu.dimension_semantics<subcore_parallel>], iteration_bounds = array<i64: 2, 16>, scalar_prefetch = 0 : i64, scratch_operands = 14 : i64, tpu.core_type = #tpu.core_type<sc_vector_subcore>, window_params = [{transform_indices = #map}, {transform_indices = #map}, {transform_indices = #map1}, {transform_indices = #map}, {transform_indices = #map}, {transform_indices = #map}, {transform_indices = #map1}, {transform_indices = #map}, {transform_indices = #map}, {transform_indices = #map1}, {transform_indices = #map}]} {
    %mul3A = arith.constant 2 : i32
    %mul3A_0 = arith.muli %arg1, %mul3A : i32
    %add3A = arith.addi %mul3A_0, %arg0 : i32
    %mul3A_1 = arith.constant 4000 : i32
    %mul3A_2 = arith.muli %add3A, %mul3A_1 : i32
    %lt3A = arith.constant 25 : i32
    %lt3A_3 = arith.cmpi slt, %add3A, %lt3A : i32
    "tpu.region"() ({
      %run_scoped3A = tpu.sem_alloc : memref<!tpu.dma_semaphore, #tpu.memory_space<semaphore_mem>>
      tpu.enqueue_dma source(%arg6 : memref<16384xi32, #tpu.memory_space<hbm>>) target(%arg13 : memref<16384xi32, #tpu.memory_space<vmem>>) target_semaphore(%run_scoped3A : memref<!tpu.dma_semaphore, #tpu.memory_space<semaphore_mem>>)
      tpu.wait_dma2 semaphore(%run_scoped3A : memref<!tpu.dma_semaphore, #tpu.memory_space<semaphore_mem>>) src(%arg6 : memref<16384xi32, #tpu.memory_space<hbm>>) dst(%arg13 : memref<16384xi32, #tpu.memory_space<vmem>>)
      tpu.yield
    }) : () -> ()
    "tpu.region"() ({
      %run_scoped3A = tpu.sem_alloc : memref<!tpu.dma_semaphore, #tpu.memory_space<semaphore_mem>>
      tpu.enqueue_dma source(%arg5 : memref<16384xi32, #tpu.memory_space<hbm>>) target(%arg14 : memref<16384xi32, #tpu.memory_space<vmem>>) target_semaphore(%run_scoped3A : memref<!tpu.dma_semaphore, #tpu.memory_space<semaphore_mem>>)
      tpu.wait_dma2 semaphore(%run_scoped3A : memref<!tpu.dma_semaphore, #tpu.memory_space<semaphore_mem>>) src(%arg5 : memref<16384xi32, #tpu.memory_space<hbm>>) dst(%arg14 : memref<16384xi32, #tpu.memory_space<vmem>>)
      tpu.yield
    }) : () -> ()
    "tpu.region"() ({
      %run_scoped3A = tpu.sem_alloc : memref<!tpu.dma_semaphore, #tpu.memory_space<semaphore_mem>>
      tpu.enqueue_dma source(%arg7 : memref<16384xf32, #tpu.memory_space<hbm>>) target(%arg15 : memref<16384xf32, #tpu.memory_space<vmem>>) target_semaphore(%run_scoped3A : memref<!tpu.dma_semaphore, #tpu.memory_space<semaphore_mem>>)
      tpu.wait_dma2 semaphore(%run_scoped3A : memref<!tpu.dma_semaphore, #tpu.memory_space<semaphore_mem>>) src(%arg7 : memref<16384xf32, #tpu.memory_space<hbm>>) dst(%arg15 : memref<16384xf32, #tpu.memory_space<vmem>>)
      tpu.yield
    }) : () -> ()
    %scan3A = arith.constant 0 : i32
    %scan3A_4 = arith.constant 0 : i32
    %scan3A_5 = arith.constant 64 : i32
    %scan3A_6 = arith.addi %scan3A_4, %scan3A_5 : i32
    %scan3A_7 = arith.constant 4 : i32
    %scan3A_8 = scf.for %scan3A_49 = %scan3A_4 to %scan3A_6 step %scan3A_7 iter_args(%scan3A_50 = %scan3A) -> (i32)  : i32 {
      %broadcast_in_dim3A = arith.constant 0 : i32
      %broadcast_in_dim3A_51 = vector.broadcast %broadcast_in_dim3A : i32 to vector<16xi32>
      %mul3A_52 = arith.constant 16 : i32
      %mul3A_53 = arith.muli %scan3A_49, %mul3A_52 : i32
      %swap3A = arith.index_cast %mul3A_53 : i32 to index
      %swap3A_54 = tpu.vector_load %arg25[%swap3A] {strides = array<i32>} : memref<1024xi32, #tpu.memory_space<vmem>>, vector<16xi32>,
      tpu.vector_store %arg25[%swap3A], %broadcast_in_dim3A_51 {strides = array<i32>} : memref<1024xi32, #tpu.memory_space<vmem>>, vector<16xi32>,
      %scan3A_55 = arith.constant 0 : i32
      %scan3A_56 = arith.constant 1 : i32
      %scan3A_57 = arith.addi %scan3A_49, %scan3A_56 : i32
      %broadcast_in_dim3A_58 = arith.constant 0 : i32
      %broadcast_in_dim3A_59 = vector.broadcast %broadcast_in_dim3A_58 : i32 to vector<16xi32>
      %mul3A_60 = arith.constant 16 : i32
      %mul3A_61 = arith.muli %scan3A_57, %mul3A_60 : i32
      %swap3A_62 = arith.index_cast %mul3A_61 : i32 to index
      %swap3A_63 = tpu.vector_load %arg25[%swap3A_62] {strides = array<i32>} : memref<1024xi32, #tpu.memory_space<vmem>>, vector<16xi32>,
      tpu.vector_store %arg25[%swap3A_62], %broadcast_in_dim3A_59 {strides = array<i32>} : memref<1024xi32, #tpu.memory_space<vmem>>, vector<16xi32>,
      %scan3A_64 = arith.constant 0 : i32
      %scan3A_65 = arith.constant 2 : i32
      %scan3A_66 = arith.addi %scan3A_49, %scan3A_65 : i32
      %broadcast_in_dim3A_67 = arith.constant 0 : i32
      %broadcast_in_dim3A_68 = vector.broadcast %broadcast_in_dim3A_67 : i32 to vector<16xi32>
      %mul3A_69 = arith.constant 16 : i32
      %mul3A_70 = arith.muli %scan3A_66, %mul3A_69 : i32
      %swap3A_71 = arith.index_cast %mul3A_70 : i32 to index
      %swap3A_72 = tpu.vector_load %arg25[%swap3A_71] {strides = array<i32>} : memref<1024xi32, #tpu.memory_space<vmem>>, vector<16xi32>,
      tpu.vector_store %arg25[%swap3A_71], %broadcast_in_dim3A_68 {strides = array<i32>} : memref<1024xi32, #tpu.memory_space<vmem>>, vector<16xi32>,
      %scan3A_73 = arith.constant 0 : i32
      %scan3A_74 = arith.constant 3 : i32
      %scan3A_75 = arith.addi %scan3A_49, %scan3A_74 : i32
      %broadcast_in_dim3A_76 = arith.constant 0 : i32
      %broadcast_in_dim3A_77 = vector.broadcast %broadcast_in_dim3A_76 : i32 to vector<16xi32>
      %mul3A_78 = arith.constant 16 : i32
      %mul3A_79 = arith.muli %scan3A_75, %mul3A_78 : i32
      %swap3A_80 = arith.index_cast %mul3A_79 : i32 to index
      %swap3A_81 = tpu.vector_load %arg25[%swap3A_80] {strides = array<i32>} : memref<1024xi32, #tpu.memory_space<vmem>>, vector<16xi32>,
      tpu.vector_store %arg25[%swap3A_80], %broadcast_in_dim3A_77 {strides = array<i32>} : memref<1024xi32, #tpu.memory_space<vmem>>, vector<16xi32>,
      %scan3A_82 = arith.constant 0 : i32
      scf.yield %scan3A_82 : i32
    }
    %scan3A_9 = arith.constant 64 : i32
    %mul3A_10 = arith.constant 512 : i32
    %mul3A_11 = arith.muli %add3A, %mul3A_10 : i32
    %add3A_12 = arith.constant 0 : i32
    %add3A_13 = arith.addi %mul3A_11, %add3A_12 : i32
    "tpu.region"() ({
      %run_scoped3A = tpu.sem_alloc : memref<!tpu.dma_semaphore, #tpu.memory_space<semaphore_mem>>
      %dma_start3A = tpu.memref_slice %arg13[%add3A_13] : memref<16384xi32, #tpu.memory_space<vmem>> -> memref<128xi32, #tpu.memory_space<vmem>>
      %dma_start3A_49 = arith.constant 0 : i32
      %dma_start3A_50 = tpu.memref_slice %arg2[%dma_start3A_49] : memref<100000xi32, #tpu.memory_space<hbm>> -> memref<100000xi32, #tpu.memory_space<hbm>>
      tpu.enqueue_indirect_dma source(%dma_start3A_50 : memref<100000xi32, #tpu.memory_space<hbm>>) target(%arg24 : memref<128xi32, #tpu.memory_space<vmem>>) offsets(%dma_start3A : memref<128xi32, #tpu.memory_space<vmem>>) semaphore(%run_scoped3A : memref<!tpu.dma_semaphore, #tpu.memory_space<semaphore_mem>>)
      %dma_wait3A = tpu.memref_slice %arg13[%add3A_13] : memref<16384xi32, #tpu.memory_space<vmem>> -> memref<128xi32, #tpu.memory_space<vmem>>
      %dma_wait3A_51 = arith.constant 0 : i32
      %dma_wait3A_52 = tpu.memref_slice %arg2[%dma_wait3A_51] : memref<100000xi32, #tpu.memory_space<hbm>> -> memref<100000xi32, #tpu.memory_space<hbm>>
      tpu.wait_indirect_dma semaphore(%run_scoped3A : memref<!tpu.dma_semaphore, #tpu.memory_space<semaphore_mem>>) src(%dma_wait3A_52 : memref<100000xi32, #tpu.memory_space<hbm>>) dst(%arg24 : memref<128xi32, #tpu.memory_space<vmem>>)
      tpu.yield
    }) : () -> ()
    %scan3A_14 = arith.constant 0 : i32
    %scan3A_15 = arith.constant 0 : i32
    %scan3A_16 = arith.constant 8 : i32
    %scan3A_17 = arith.addi %scan3A_15, %scan3A_16 : i32
    %scan3A_18 = arith.constant 2 : i32
    %scan3A_19 = scf.for %scan3A_49 = %scan3A_15 to %scan3A_17 step %scan3A_18 iter_args(%scan3A_50 = %scan3A_14) -> (i32)  : i32 {
      %broadcast_in_dim3A = arith.constant true
      %broadcast_in_dim3A_51 = vector.broadcast %broadcast_in_dim3A : i1 to vector<16xi1>
      %mul3A_52 = arith.constant 16 : i32
      %mul3A_53 = arith.muli %scan3A_49, %mul3A_52 : i32
      %get3A = arith.index_cast %mul3A_53 : i32 to index
      %get3A_54 = tpu.vector_load %arg24[%get3A] {strides = array<i32>} : memref<128xi32, #tpu.memory_space<vmem>>, vector<16xi32>,
      %broadcast_in_dim3A_55 = arith.constant -1 : i32
      %broadcast_in_dim3A_56 = vector.broadcast %broadcast_in_dim3A_55 : i32 to vector<16xi32>
      tpu.vector_store_idx %arg25[%get3A_54], %broadcast_in_dim3A_56 masked %broadcast_in_dim3A_51 {add = true} : memref<1024xi32, #tpu.memory_space<vmem>>[vector<16xi32>], vector<16xi32>, vector<16xi1>
      %mul3A_57 = arith.constant 16 : i32
      %mul3A_58 = arith.muli %scan3A_49, %mul3A_57 : i32
      %add3A_59 = arith.addi %add3A_13, %mul3A_58 : i32
      %get3A_60 = arith.index_cast %add3A_59 : i32 to index
      %get3A_61 = tpu.vector_load %arg14[%get3A_60] {strides = array<i32>} : memref<16384xi32, #tpu.memory_space<vmem>>, vector<16xi32>,
      %broadcast_in_dim3A_62 = arith.constant 1 : i32
      %broadcast_in_dim3A_63 = vector.broadcast %broadcast_in_dim3A_62 : i32 to vector<16xi32>
      tpu.vector_store_idx %arg25[%get3A_61], %broadcast_in_dim3A_63 masked %broadcast_in_dim3A_51 {add = true} : memref<1024xi32, #tpu.memory_space<vmem>>[vector<16xi32>], vector<16xi32>, vector<16xi1>
      %scan3A_64 = arith.constant 0 : i32
      %scan3A_65 = arith.constant 1 : i32
      %scan3A_66 = arith.addi %scan3A_49, %scan3A_65 : i32
      %broadcast_in_dim3A_67 = arith.constant true
      %broadcast_in_dim3A_68 = vector.broadcast %broadcast_in_dim3A_67 : i1 to vector<16xi1>
      %mul3A_69 = arith.constant 16 : i32
      %mul3A_70 = arith.muli %scan3A_66, %mul3A_69 : i32
      %get3A_71 = arith.index_cast %mul3A_70 : i32 to index
      %get3A_72 = tpu.vector_load %arg24[%get3A_71] {strides = array<i32>} : memref<128xi32, #tpu.memory_space<vmem>>, vector<16xi32>,
      %broadcast_in_dim3A_73 = arith.constant -1 : i32
      %broadcast_in_dim3A_74 = vector.broadcast %broadcast_in_dim3A_73 : i32 to vector<16xi32>
      tpu.vector_store_idx %arg25[%get3A_72], %broadcast_in_dim3A_74 masked %broadcast_in_dim3A_68 {add = true} : memref<1024xi32, #tpu.memory_space<vmem>>[vector<16xi32>], vector<16xi32>, vector<16xi1>
      %mul3A_75 = arith.constant 16 : i32
      %mul3A_76 = arith.muli %scan3A_66, %mul3A_75 : i32
      %add3A_77 = arith.addi %add3A_13, %mul3A_76 : i32
      %get3A_78 = arith.index_cast %add3A_77 : i32 to index
      %get3A_79 = tpu.vector_load %arg14[%get3A_78] {strides = array<i32>} : memref<16384xi32, #tpu.memory_space<vmem>>, vector<16xi32>,
      %broadcast_in_dim3A_80 = arith.constant 1 : i32
      %broadcast_in_dim3A_81 = vector.broadcast %broadcast_in_dim3A_80 : i32 to vector<16xi32>
      tpu.vector_store_idx %arg25[%get3A_79], %broadcast_in_dim3A_81 masked %broadcast_in_dim3A_68 {add = true} : memref<1024xi32, #tpu.memory_space<vmem>>[vector<16xi32>], vector<16xi32>, vector<16xi1>
      %scan3A_82 = arith.constant 0 : i32
      scf.yield %scan3A_82 : i32
    }
    %scan3A_20 = arith.constant 8 : i32
    %add3A_21 = arith.constant 128 : i32
    %add3A_22 = arith.addi %mul3A_11, %add3A_21 : i32
    "tpu.region"() ({
      %run_scoped3A = tpu.sem_alloc : memref<!tpu.dma_semaphore, #tpu.memory_space<semaphore_mem>>
      %dma_start3A = tpu.memref_slice %arg13[%add3A_22] : memref<16384xi32, #tpu.memory_space<vmem>> -> memref<128xi32, #tpu.memory_space<vmem>>
      %dma_start3A_49 = arith.constant 0 : i32
      %dma_start3A_50 = tpu.memref_slice %arg2[%dma_start3A_49] : memref<100000xi32, #tpu.memory_space<hbm>> -> memref<100000xi32, #tpu.memory_space<hbm>>
      tpu.enqueue_indirect_dma source(%dma_start3A_50 : memref<100000xi32, #tpu.memory_space<hbm>>) target(%arg24 : memref<128xi32, #tpu.memory_space<vmem>>) offsets(%dma_start3A : memref<128xi32, #tpu.memory_space<vmem>>) semaphore(%run_scoped3A : memref<!tpu.dma_semaphore, #tpu.memory_space<semaphore_mem>>)
      %dma_wait3A = tpu.memref_slice %arg13[%add3A_22] : memref<16384xi32, #tpu.memory_space<vmem>> -> memref<128xi32, #tpu.memory_space<vmem>>
      %dma_wait3A_51 = arith.constant 0 : i32
      %dma_wait3A_52 = tpu.memref_slice %arg2[%dma_wait3A_51] : memref<100000xi32, #tpu.memory_space<hbm>> -> memref<100000xi32, #tpu.memory_space<hbm>>
      tpu.wait_indirect_dma semaphore(%run_scoped3A : memref<!tpu.dma_semaphore, #tpu.memory_space<semaphore_mem>>) src(%dma_wait3A_52 : memref<100000xi32, #tpu.memory_space<hbm>>) dst(%arg24 : memref<128xi32, #tpu.memory_space<vmem>>)
      tpu.yield
    }) : () -> ()
    %scan3A_23 = arith.constant 0 : i32
    %scan3A_24 = arith.constant 0 : i32
    %scan3A_25 = arith.constant 8 : i32
    %scan3A_26 = arith.addi %scan3A_24, %scan3A_25 : i32
    %scan3A_27 = arith.constant 2 : i32
    %scan3A_28 = scf.for %scan3A_49 = %scan3A_24 to %scan3A_26 step %scan3A_27 iter_args(%scan3A_50 = %scan3A_23) -> (i32)  : i32 {
      %broadcast_in_dim3A = arith.constant true
      %broadcast_in_dim3A_51 = vector.broadcast %broadcast_in_dim3A : i1 to vector<16xi1>
      %mul3A_52 = arith.constant 16 : i32
      %mul3A_53 = arith.muli %scan3A_49, %mul3A_52 : i32
      %get3A = arith.index_cast %mul3A_53 : i32 to index
      %get3A_54 = tpu.vector_load %arg24[%get3A] {strides = array<i32>} : memref<128xi32, #tpu.memory_space<vmem>>, vector<16xi32>,
      %broadcast_in_dim3A_55 = arith.constant -1 : i32
      %broadcast_in_dim3A_56 = vector.broadcast %broadcast_in_dim3A_55 : i32 to vector<16xi32>
      tpu.vector_store_idx %arg25[%get3A_54], %broadcast_in_dim3A_56 masked %broadcast_in_dim3A_51 {add = true} : memref<1024xi32, #tpu.memory_space<vmem>>[vector<16xi32>], vector<16xi32>, vector<16xi1>
      %mul3A_57 = arith.constant 16 : i32
      %mul3A_58 = arith.muli %scan3A_49, %mul3A_57 : i32
      %add3A_59 = arith.addi %add3A_22, %mul3A_58 : i32
      %get3A_60 = arith.index_cast %add3A_59 : i32 to index
      %get3A_61 = tpu.vector_load %arg14[%get3A_60] {strides = array<i32>} : memref<16384xi32, #tpu.memory_space<vmem>>, vector<16xi32>,
      %broadcast_in_dim3A_62 = arith.constant 1 : i32
      %broadcast_in_dim3A_63 = vector.broadcast %broadcast_in_dim3A_62 : i32 to vector<16xi32>
      tpu.vector_store_idx %arg25[%get3A_61], %broadcast_in_dim3A_63 masked %broadcast_in_dim3A_51 {add = true} : memref<1024xi32, #tpu.memory_space<vmem>>[vector<16xi32>], vector<16xi32>, vector<16xi1>
      %scan3A_64 = arith.constant 0 : i32
      %scan3A_65 = arith.constant 1 : i32
      %scan3A_66 = arith.addi %scan3A_49, %scan3A_65 : i32
      %broadcast_in_dim3A_67 = arith.constant true
      %broadcast_in_dim3A_68 = vector.broadcast %broadcast_in_dim3A_67 : i1 to vector<16xi1>
      %mul3A_69 = arith.constant 16 : i32
      %mul3A_70 = arith.muli %scan3A_66, %mul3A_69 : i32
      %get3A_71 = arith.index_cast %mul3A_70 : i32 to index
      %get3A_72 = tpu.vector_load %arg24[%get3A_71] {strides = array<i32>} : memref<128xi32, #tpu.memory_space<vmem>>, vector<16xi32>,
      %broadcast_in_dim3A_73 = arith.constant -1 : i32
      %broadcast_in_dim3A_74 = vector.broadcast %broadcast_in_dim3A_73 : i32 to vector<16xi32>
      tpu.vector_store_idx %arg25[%get3A_72], %broadcast_in_dim3A_74 masked %broadcast_in_dim3A_68 {add = true} : memref<1024xi32, #tpu.memory_space<vmem>>[vector<16xi32>], vector<16xi32>, vector<16xi1>
      %mul3A_75 = arith.constant 16 : i32
      %mul3A_76 = arith.muli %scan3A_66, %mul3A_75 : i32
      %add3A_77 = arith.addi %add3A_22, %mul3A_76 : i32
      %get3A_78 = arith.index_cast %add3A_77 : i32 to index
      %get3A_79 = tpu.vector_load %arg14[%get3A_78] {strides = array<i32>} : memref<16384xi32, #tpu.memory_space<vmem>>, vector<16xi32>,
      %broadcast_in_dim3A_80 = arith.constant 1 : i32
      %broadcast_in_dim3A_81 = vector.broadcast %broadcast_in_dim3A_80 : i32 to vector<16xi32>
      tpu.vector_store_idx %arg25[%get3A_79], %broadcast_in_dim3A_81 masked %broadcast_in_dim3A_68 {add = true} : memref<1024xi32, #tpu.memory_space<vmem>>[vector<16xi32>], vector<16xi32>, vector<16xi1>
      %scan3A_82 = arith.constant 0 : i32
      scf.yield %scan3A_82 : i32
    }
    %scan3A_29 = arith.constant 8 : i32
    %add3A_30 = arith.constant 256 : i32
    %add3A_31 = arith.addi %mul3A_11, %add3A_30 : i32
    "tpu.region"() ({
      %run_scoped3A = tpu.sem_alloc : memref<!tpu.dma_semaphore, #tpu.memory_space<semaphore_mem>>
      %dma_start3A = tpu.memref_slice %arg13[%add3A_31] : memref<16384xi32, #tpu.memory_space<vmem>> -> memref<128xi32, #tpu.memory_space<vmem>>
      %dma_start3A_49 = arith.constant 0 : i32
      %dma_start3A_50 = tpu.memref_slice %arg2[%dma_start3A_49] : memref<100000xi32, #tpu.memory_space<hbm>> -> memref<100000xi32, #tpu.memory_space<hbm>>
      tpu.enqueue_indirect_dma source(%dma_start3A_50 : memref<100000xi32, #tpu.memory_space<hbm>>) target(%arg24 : memref<128xi32, #tpu.memory_space<vmem>>) offsets(%dma_start3A : memref<128xi32, #tpu.memory_space<vmem>>) semaphore(%run_scoped3A : memref<!tpu.dma_semaphore, #tpu.memory_space<semaphore_mem>>)
      %dma_wait3A = tpu.memref_slice %arg13[%add3A_31] : memref<16384xi32, #tpu.memory_space<vmem>> -> memref<128xi32, #tpu.memory_space<vmem>>
      %dma_wait3A_51 = arith.constant 0 : i32
      %dma_wait3A_52 = tpu.memref_slice %arg2[%dma_wait3A_51] : memref<100000xi32, #tpu.memory_space<hbm>> -> memref<100000xi32, #tpu.memory_space<hbm>>
      tpu.wait_indirect_dma semaphore(%run_scoped3A : memref<!tpu.dma_semaphore, #tpu.memory_space<semaphore_mem>>) src(%dma_wait3A_52 : memref<100000xi32, #tpu.memory_space<hbm>>) dst(%arg24 : memref<128xi32, #tpu.memory_space<vmem>>)
      tpu.yield
    }) : () -> ()
    %scan3A_32 = arith.constant 0 : i32
    %scan3A_33 = arith.constant 0 : i32
    %scan3A_34 = arith.constant 8 : i32
    %scan3A_35 = arith.addi %scan3A_33, %scan3A_34 : i32
    %scan3A_36 = arith.constant 2 : i32
    %scan3A_37 = scf.for %scan3A_49 = %scan3A_33 to %scan3A_35 step %scan3A_36 iter_args(%scan3A_50 = %scan3A_32) -> (i32)  : i32 {
      %broadcast_in_dim3A = arith.constant true
      %broadcast_in_dim3A_51 = vector.broadcast %broadcast_in_dim3A : i1 to vector<16xi1>
      %mul3A_52 = arith.constant 16 : i32
      %mul3A_53 = arith.muli %scan3A_49, %mul3A_52 : i32
      %get3A = arith.index_cast %mul3A_53 : i32 to index
      %get3A_54 = tpu.vector_load %arg24[%get3A] {strides = array<i32>} : memref<128xi32, #tpu.memory_space<vmem>>, vector<16xi32>,
      %broadcast_in_dim3A_55 = arith.constant -1 : i32
      %broadcast_in_dim3A_56 = vector.broadcast %broadcast_in_dim3A_55 : i32 to vector<16xi32>
      tpu.vector_store_idx %arg25[%get3A_54], %broadcast_in_dim3A_56 masked %broadcast_in_dim3A_51 {add = true} : memref<1024xi32, #tpu.memory_space<vmem>>[vector<16xi32>], vector<16xi32>, vector<16xi1>
      %mul3A_57 = arith.constant 16 : i32
      %mul3A_58 = arith.muli %scan3A_49, %mul3A_57 : i32
      %add3A_59 = arith.addi %add3A_31, %mul3A_58 : i32
      %get3A_60 = arith.index_cast %add3A_59 : i32 to index
      %get3A_61 = tpu.vector_load %arg14[%get3A_60] {strides = array<i32>} : memref<16384xi32, #tpu.memory_space<vmem>>, vector<16xi32>,
      %broadcast_in_dim3A_62 = arith.constant 1 : i32
      %broadcast_in_dim3A_63 = vector.broadcast %broadcast_in_dim3A_62 : i32 to vector<16xi32>
      tpu.vector_store_idx %arg25[%get3A_61], %broadcast_in_dim3A_63 masked %broadcast_in_dim3A_51 {add = true} : memref<1024xi32, #tpu.memory_space<vmem>>[vector<16xi32>], vector<16xi32>, vector<16xi1>
      %scan3A_64 = arith.constant 0 : i32
      %scan3A_65 = arith.constant 1 : i32
      %scan3A_66 = arith.addi %scan3A_49, %scan3A_65 : i32
      %broadcast_in_dim3A_67 = arith.constant true
      %broadcast_in_dim3A_68 = vector.broadcast %broadcast_in_dim3A_67 : i1 to vector<16xi1>
      %mul3A_69 = arith.constant 16 : i32
      %mul3A_70 = arith.muli %scan3A_66, %mul3A_69 : i32
      %get3A_71 = arith.index_cast %mul3A_70 : i32 to index
      %get3A_72 = tpu.vector_load %arg24[%get3A_71] {strides = array<i32>} : memref<128xi32, #tpu.memory_space<vmem>>, vector<16xi32>,
      %broadcast_in_dim3A_73 = arith.constant -1 : i32
      %broadcast_in_dim3A_74 = vector.broadcast %broadcast_in_dim3A_73 : i32 to vector<16xi32>
      tpu.vector_store_idx %arg25[%get3A_72], %broadcast_in_dim3A_74 masked %broadcast_in_dim3A_68 {add = true} : memref<1024xi32, #tpu.memory_space<vmem>>[vector<16xi32>], vector<16xi32>, vector<16xi1>
      %mul3A_75 = arith.constant 16 : i32
      %mul3A_76 = arith.muli %scan3A_66, %mul3A_75 : i32
      %add3A_77 = arith.addi %add3A_31, %mul3A_76 : i32
      %get3A_78 = arith.index_cast %add3A_77 : i32 to index
      %get3A_79 = tpu.vector_load %arg14[%get3A_78] {strides = array<i32>} : memref<16384xi32, #tpu.memory_space<vmem>>, vector<16xi32>,
      %broadcast_in_dim3A_80 = arith.constant 1 : i32
      %broadcast_in_dim3A_81 = vector.broadcast %broadcast_in_dim3A_80 : i32 to vector<16xi32>
      tpu.vector_store_idx %arg25[%get3A_79], %broadcast_in_dim3A_81 masked %broadcast_in_dim3A_68 {add = true} : memref<1024xi32, #tpu.memory_space<vmem>>[vector<16xi32>], vector<16xi32>, vector<16xi1>
      %scan3A_82 = arith.constant 0 : i32
      scf.yield %scan3A_82 : i32
    }
    %scan3A_38 = arith.constant 8 : i32
    %add3A_39 = arith.constant 384 : i32
    %add3A_40 = arith.addi %mul3A_11, %add3A_39 : i32
    "tpu.region"() ({
      %run_scoped3A = tpu.sem_alloc : memref<!tpu.dma_semaphore, #tpu.memory_space<semaphore_mem>>
      %dma_start3A = tpu.memref_slice %arg13[%add3A_40] : memref<16384xi32, #tpu.memory_space<vmem>> -> memref<128xi32, #tpu.memory_space<vmem>>
      %dma_start3A_49 = arith.constant 0 : i32
      %dma_start3A_50 = tpu.memref_slice %arg2[%dma_start3A_49] : memref<100000xi32, #tpu.memory_space<hbm>> -> memref<100000xi32, #tpu.memory_space<hbm>>
      tpu.enqueue_indirect_dma source(%dma_start3A_50 : memref<100000xi32, #tpu.memory_space<hbm>>) target(%arg24 : memref<128xi32, #tpu.memory_space<vmem>>) offsets(%dma_start3A : memref<128xi32, #tpu.memory_space<vmem>>) semaphore(%run_scoped3A : memref<!tpu.dma_semaphore, #tpu.memory_space<semaphore_mem>>)
      %dma_wait3A = tpu.memref_slice %arg13[%add3A_40] : memref<16384xi32, #tpu.memory_space<vmem>> -> memref<128xi32, #tpu.memory_space<vmem>>
      %dma_wait3A_51 = arith.constant 0 : i32
      %dma_wait3A_52 = tpu.memref_slice %arg2[%dma_wait3A_51] : memref<100000xi32, #tpu.memory_space<hbm>> -> memref<100000xi32, #tpu.memory_space<hbm>>
      tpu.wait_indirect_dma semaphore(%run_scoped3A : memref<!tpu.dma_semaphore, #tpu.memory_space<semaphore_mem>>) src(%dma_wait3A_52 : memref<100000xi32, #tpu.memory_space<hbm>>) dst(%arg24 : memref<128xi32, #tpu.memory_space<vmem>>)
      tpu.yield
    }) : () -> ()
    %scan3A_41 = arith.constant 0 : i32
    %scan3A_42 = arith.constant 0 : i32
    %scan3A_43 = arith.constant 8 : i32
    %scan3A_44 = arith.addi %scan3A_42, %scan3A_43 : i32
    %scan3A_45 = arith.constant 2 : i32
    %scan3A_46 = scf.for %scan3A_49 = %scan3A_42 to %scan3A_44 step %scan3A_45 iter_args(%scan3A_50 = %scan3A_41) -> (i32)  : i32 {
      %broadcast_in_dim3A = arith.constant true
      %broadcast_in_dim3A_51 = vector.broadcast %broadcast_in_dim3A : i1 to vector<16xi1>
      %mul3A_52 = arith.constant 16 : i32
      %mul3A_53 = arith.muli %scan3A_49, %mul3A_52 : i32
      %get3A = arith.index_cast %mul3A_53 : i32 to index
      %get3A_54 = tpu.vector_load %arg24[%get3A] {strides = array<i32>} : memref<128xi32, #tpu.memory_space<vmem>>, vector<16xi32>,
      %broadcast_in_dim3A_55 = arith.constant -1 : i32
      %broadcast_in_dim3A_56 = vector.broadcast %broadcast_in_dim3A_55 : i32 to vector<16xi32>
      tpu.vector_store_idx %arg25[%get3A_54], %broadcast_in_dim3A_56 masked %broadcast_in_dim3A_51 {add = true} : memref<1024xi32, #tpu.memory_space<vmem>>[vector<16xi32>], vector<16xi32>, vector<16xi1>
      %mul3A_57 = arith.constant 16 : i32
      %mul3A_58 = arith.muli %scan3A_49, %mul3A_57 : i32
      %add3A_59 = arith.addi %add3A_40, %mul3A_58 : i32
      %get3A_60 = arith.index_cast %add3A_59 : i32 to index
      %get3A_61 = tpu.vector_load %arg14[%get3A_60] {strides = array<i32>} : memref<16384xi32, #tpu.memory_space<vmem>>, vector<16xi32>,
      %broadcast_in_dim3A_62 = arith.constant 1 : i32
      %broadcast_in_dim3A_63 = vector.broadcast %broadcast_in_dim3A_62 : i32 to vector<16xi32>
      tpu.vector_store_idx %arg25[%get3A_61], %broadcast_in_dim3A_63 masked %broadcast_in_dim3A_51 {add = true} : memref<1024xi32, #tpu.memory_space<vmem>>[vector<16xi32>], vector<16xi32>, vector<16xi1>
      %scan3A_64 = arith.constant 0 : i32
      %scan3A_65 = arith.constant 1 : i32
      %scan3A_66 = arith.addi %scan3A_49, %scan3A_65 : i32
      %broadcast_in_dim3A_67 = arith.constant true
      %broadcast_in_dim3A_68 = vector.broadcast %broadcast_in_dim3A_67 : i1 to vector<16xi1>
      %mul3A_69 = arith.constant 16 : i32
      %mul3A_70 = arith.muli %scan3A_66, %mul3A_69 : i32
      %get3A_71 = arith.index_cast %mul3A_70 : i32 to index
      %get3A_72 = tpu.vector_load %arg24[%get3A_71] {strides = array<i32>} : memref<128xi32, #tpu.memory_space<vmem>>, vector<16xi32>,
      %broadcast_in_dim3A_73 = arith.constant -1 : i32
      %broadcast_in_dim3A_74 = vector.broadcast %broadcast_in_dim3A_73 : i32 to vector<16xi32>
      tpu.vector_store_idx %arg25[%get3A_72], %broadcast_in_dim3A_74 masked %broadcast_in_dim3A_68 {add = true} : memref<1024xi32, #tpu.memory_space<vmem>>[vector<16xi32>], vector<16xi32>, vector<16xi1>
      %mul3A_75 = arith.constant 16 : i32
      %mul3A_76 = arith.muli %scan3A_66, %mul3A_75 : i32
      %add3A_77 = arith.addi %add3A_40, %mul3A_76 : i32
      %get3A_78 = arith.index_cast %add3A_77 : i32 to index
      %get3A_79 = tpu.vector_load %arg14[%get3A_78] {strides = array<i32>} : memref<16384xi32, #tpu.memory_space<vmem>>, vector<16xi32>,
      %broadcast_in_dim3A_80 = arith.constant 1 : i32
      %broadcast_in_dim3A_81 = vector.broadcast %broadcast_in_dim3A_80 : i32 to vector<16xi32>
      tpu.vector_store_idx %arg25[%get3A_79], %broadcast_in_dim3A_81 masked %broadcast_in_dim3A_68 {add = true} : memref<1024xi32, #tpu.memory_space<vmem>>[vector<16xi32>], vector<16xi32>, vector<16xi1>
      %scan3A_82 = arith.constant 0 : i32
      scf.yield %scan3A_82 : i32
    }
    %scan3A_47 = arith.constant 8 : i32
    "tpu.region"() ({
      %run_scoped3A = tpu.sem_alloc : memref<!tpu.dma_semaphore, #tpu.memory_space<semaphore_mem>>
      %dma_start3A = arith.constant 0 : i32
      %dma_start3A_49 = tpu.memref_slice %arg11[%add3A, %dma_start3A] : memref<32x1024xi32, #tpu.memory_space<hbm>> -> memref<1x1024xi32, #tpu.memory_space<hbm>>
      %dma_start3A_50 = tpu.memref_squeeze %dma_start3A_49 : memref<1x1024xi32, #tpu.memory_space<hbm>> -> memref<1024xi32, #tpu.memory_space<hbm>>
      %dma_start3A_51 = arith.constant 0 : i32
      %dma_start3A_52 = tpu.memref_slice %arg11[%add3A, %dma_start3A_51] : memref<32x1024xi32, #tpu.memory_space<hbm>> -> memref<1x1024xi32, #tpu.memory_space<hbm>>
      %dma_start3A_53 = tpu.memref_squeeze %dma_start3A_52 : memref<1x1024xi32, #tpu.memory_space<hbm>> -> memref<1024xi32, #tpu.memory_space<hbm>>
      tpu.enqueue_dma source(%arg25 : memref<1024xi32, #tpu.memory_space<vmem>>) target(%dma_start3A_53 : memref<1024xi32, #tpu.memory_space<hbm>>) target_semaphore(%run_scoped3A : memref<!tpu.dma_semaphore, #tpu.memory_space<semaphore_mem>>)
      %dma_wait3A = arith.constant 0 : i32
      %dma_wait3A_54 = tpu.memref_slice %arg11[%add3A, %dma_wait3A] : memref<32x1024xi32, #tpu.memory_space<hbm>> -> memref<1x1024xi32, #tpu.memory_space<hbm>>
      %dma_wait3A_55 = tpu.memref_squeeze %dma_wait3A_54 : memref<1x1024xi32, #tpu.memory_space<hbm>> -> memref<1024xi32, #tpu.memory_space<hbm>>
      %dma_wait3A_56 = arith.constant 0 : i32
      %dma_wait3A_57 = tpu.memref_slice %arg11[%add3A, %dma_wait3A_56] : memref<32x1024xi32, #tpu.memory_space<hbm>> -> memref<1x1024xi32, #tpu.memory_space<hbm>>
      %dma_wait3A_58 = tpu.memref_squeeze %dma_wait3A_57 : memref<1x1024xi32, #tpu.memory_space<hbm>> -> memref<1024xi32, #tpu.memory_space<hbm>>
      tpu.wait_dma2 semaphore(%run_scoped3A : memref<!tpu.dma_semaphore, #tpu.memory_space<semaphore_mem>>) src(%arg25 : memref<1024xi32, #tpu.memory_space<vmem>>) dst(%dma_wait3A_58 : memref<1024xi32, #tpu.memory_space<hbm>>)
      tpu.yield
    }) : () -> ()
    %convert_element_type3A = arith.extui %lt3A_3 : i1 to i32
    %cond3A = arith.constant 0 : i32
    %cond3A_48 = arith.cmpi ne, %convert_element_type3A, %cond3A : i32
    scf.if %cond3A_48 {
      %scan3A_49 = arith.constant 0 : i32
      %scan3A_50 = arith.constant 0 : i32
      %scan3A_51 = arith.constant 248 : i32
      %scan3A_52 = arith.addi %scan3A_50, %scan3A_51 : i32
      %scan3A_53 = arith.constant 4 : i32
      %scan3A_54 = scf.for %scan3A_126 = %scan3A_50 to %scan3A_52 step %scan3A_53 iter_args(%scan3A_127 = %scan3A_49) -> (i32)  : i32 {
        %broadcast_in_dim3A_128 = arith.constant -1 : i32
        %broadcast_in_dim3A_129 = vector.broadcast %broadcast_in_dim3A_128 : i32 to vector<16xi32>
        %mul3A_130 = arith.constant 16 : i32
        %mul3A_131 = arith.muli %scan3A_126, %mul3A_130 : i32
        %swap3A_132 = arith.index_cast %mul3A_131 : i32 to index
        %swap3A_133 = tpu.vector_load %arg18[%swap3A_132] {strides = array<i32>} : memref<4000xi32, #tpu.memory_space<vmem>>, vector<16xi32>,
        tpu.vector_store %arg18[%swap3A_132], %broadcast_in_dim3A_129 {strides = array<i32>} : memref<4000xi32, #tpu.memory_space<vmem>>, vector<16xi32>,
        %scan3A_134 = arith.constant 0 : i32
        %scan3A_135 = arith.constant 1 : i32
        %scan3A_136 = arith.addi %scan3A_126, %scan3A_135 : i32
        %broadcast_in_dim3A_137 = arith.constant -1 : i32
        %broadcast_in_dim3A_138 = vector.broadcast %broadcast_in_dim3A_137 : i32 to vector<16xi32>
        %mul3A_139 = arith.constant 16 : i32
        %mul3A_140 = arith.muli %scan3A_136, %mul3A_139 : i32
        %swap3A_141 = arith.index_cast %mul3A_140 : i32 to index
        %swap3A_142 = tpu.vector_load %arg18[%swap3A_141] {strides = array<i32>} : memref<4000xi32, #tpu.memory_space<vmem>>, vector<16xi32>,
        tpu.vector_store %arg18[%swap3A_141], %broadcast_in_dim3A_138 {strides = array<i32>} : memref<4000xi32, #tpu.memory_space<vmem>>, vector<16xi32>,
        %scan3A_143 = arith.constant 0 : i32
        %scan3A_144 = arith.constant 2 : i32
        %scan3A_145 = arith.addi %scan3A_126, %scan3A_144 : i32
        %broadcast_in_dim3A_146 = arith.constant -1 : i32
        %broadcast_in_dim3A_147 = vector.broadcast %broadcast_in_dim3A_146 : i32 to vector<16xi32>
        %mul3A_148 = arith.constant 16 : i32
        %mul3A_149 = arith.muli %scan3A_145, %mul3A_148 : i32
        %swap3A_150 = arith.index_cast %mul3A_149 : i32 to index
        %swap3A_151 = tpu.vector_load %arg18[%swap3A_150] {strides = array<i32>} : memref<4000xi32, #tpu.memory_space<vmem>>, vector<16xi32>,
        tpu.vector_store %arg18[%swap3A_150], %broadcast_in_dim3A_147 {strides = array<i32>} : memref<4000xi32, #tpu.memory_space<vmem>>, vector<16xi32>,
        %scan3A_152 = arith.constant 0 : i32
        %scan3A_153 = arith.constant 3 : i32
        %scan3A_154 = arith.addi %scan3A_126, %scan3A_153 : i32
        %broadcast_in_dim3A_155 = arith.constant -1 : i32
        %broadcast_in_dim3A_156 = vector.broadcast %broadcast_in_dim3A_155 : i32 to vector<16xi32>
        %mul3A_157 = arith.constant 16 : i32
        %mul3A_158 = arith.muli %scan3A_154, %mul3A_157 : i32
        %swap3A_159 = arith.index_cast %mul3A_158 : i32 to index
        %swap3A_160 = tpu.vector_load %arg18[%swap3A_159] {strides = array<i32>} : memref<4000xi32, #tpu.memory_space<vmem>>, vector<16xi32>,
        tpu.vector_store %arg18[%swap3A_159], %broadcast_in_dim3A_156 {strides = array<i32>} : memref<4000xi32, #tpu.memory_space<vmem>>, vector<16xi32>,
        %scan3A_161 = arith.constant 0 : i32
        scf.yield %scan3A_161 : i32
      }
      %scan3A_55 = arith.constant 248 : i32
      %scan3A_56 = arith.addi %scan3A_50, %scan3A_55 : i32
      %broadcast_in_dim3A = arith.constant -1 : i32
      %broadcast_in_dim3A_57 = vector.broadcast %broadcast_in_dim3A : i32 to vector<16xi32>
      %mul3A_58 = arith.constant 16 : i32
      %mul3A_59 = arith.muli %scan3A_56, %mul3A_58 : i32
      %swap3A = arith.index_cast %mul3A_59 : i32 to index
      %swap3A_60 = tpu.vector_load %arg18[%swap3A] {strides = array<i32>} : memref<4000xi32, #tpu.memory_space<vmem>>, vector<16xi32>,
      tpu.vector_store %arg18[%swap3A], %broadcast_in_dim3A_57 {strides = array<i32>} : memref<4000xi32, #tpu.memory_space<vmem>>, vector<16xi32>,
      %scan3A_61 = arith.constant 0 : i32
      %scan3A_62 = arith.constant 249 : i32
      %scan3A_63 = arith.addi %scan3A_50, %scan3A_62 : i32
      %broadcast_in_dim3A_64 = arith.constant -1 : i32
      %broadcast_in_dim3A_65 = vector.broadcast %broadcast_in_dim3A_64 : i32 to vector<16xi32>
      %mul3A_66 = arith.constant 16 : i32
      %mul3A_67 = arith.muli %scan3A_63, %mul3A_66 : i32
      %swap3A_68 = arith.index_cast %mul3A_67 : i32 to index
      %swap3A_69 = tpu.vector_load %arg18[%swap3A_68] {strides = array<i32>} : memref<4000xi32, #tpu.memory_space<vmem>>, vector<16xi32>,
      tpu.vector_store %arg18[%swap3A_68], %broadcast_in_dim3A_65 {strides = array<i32>} : memref<4000xi32, #tpu.memory_space<vmem>>, vector<16xi32>,
      %scan3A_70 = arith.constant 0 : i32
      %scan3A_71 = arith.constant 250 : i32
      %iota3A = tpu.iota {dimensions = array<i32: 0>} : vector<16xi32>
      %add3A_72 = arith.constant 1 : i32
      %add3A_73 = vector.broadcast %add3A_72 : i32 to vector<16xi32>
      %add3A_74 = arith.addi %iota3A, %add3A_73 : vector<16xi32>
      %min3A = arith.constant 15 : i32
      %min3A_75 = vector.broadcast %min3A : i32 to vector<16xi32>
      %min3A_76 = arith.minsi %add3A_74, %min3A_75 : vector<16xi32>
      %scan3A_77 = arith.constant 0 : i32
      %scan3A_78 = arith.constant 0 : i32
      %scan3A_79 = arith.constant 1024 : i32
      %scan3A_80 = arith.addi %scan3A_78, %scan3A_79 : i32
      %scan3A_81 = arith.constant 2 : i32
      %scan3A_82 = scf.for %scan3A_126 = %scan3A_78 to %scan3A_80 step %scan3A_81 iter_args(%scan3A_127 = %scan3A_77) -> (i32)  : i32 {
        %mul3A_128 = arith.constant 16 : i32
        %mul3A_129 = arith.muli %scan3A_126, %mul3A_128 : i32
        %get3A = arith.index_cast %mul3A_129 : i32 to index
        %get3A_130 = tpu.vector_load %arg13[%get3A] {strides = array<i32>} : memref<16384xi32, #tpu.memory_space<vmem>>, vector<16xi32>,
        %sub3A_131 = vector.broadcast %mul3A_2 : i32 to vector<16xi32>
        %sub3A_132 = arith.subi %get3A_130, %sub3A_131 : vector<16xi32>
        %ge3A = arith.constant 0 : i32
        %ge3A_133 = vector.broadcast %ge3A : i32 to vector<16xi32>
        %ge3A_134 = arith.cmpi sge, %sub3A_132, %ge3A_133 : vector<16xi32>
        %lt3A_135 = arith.constant 4000 : i32
        %lt3A_136 = vector.broadcast %lt3A_135 : i32 to vector<16xi32>
        %lt3A_137 = arith.cmpi slt, %sub3A_132, %lt3A_136 : vector<16xi32>
        %and3A_138 = arith.andi %ge3A_134, %lt3A_137 : vector<16xi1>
        %mul3A_139 = arith.constant 16 : i32
        %mul3A_140 = arith.muli %scan3A_126, %mul3A_139 : i32
        %iota3A_141 = tpu.iota {dimensions = array<i32: 0>} : vector<16xi32>
        %add3A_142 = vector.broadcast %mul3A_140 : i32 to vector<16xi32>
        %add3A_143 = arith.addi %add3A_142, %iota3A_141 : vector<16xi32>
        %mul3A_144 = arith.constant 16384 : i32
        %mul3A_145 = vector.broadcast %mul3A_144 : i32 to vector<16xi32>
        %mul3A_146 = arith.muli %sub3A_132, %mul3A_145 : vector<16xi32>
        %add3A_147 = arith.addi %mul3A_146, %add3A_143 : vector<16xi32>
        %jit3A_148 = arith.constant 2147483647 : i32
        %broadcast_in_dim3A_149 = vector.broadcast %jit3A_148 : i32 to vector<16xi32>
        %select_n3A_150 = arith.select %and3A_138, %add3A_147, %broadcast_in_dim3A_149 : vector<16xi1>, vector<16xi32>
        %sort3A = arith.constant dense<true> : vector<16xi1>
        %sort3A_151, %sort3A_152, %sort3A_153 = tpu.sort %select_n3A_150, %select_n3A_150 masked %sort3A : (vector<16xi32>, vector<16xi32>, vector<16xi1>) -> (vector<16xi1>, vector<16xi32>, vector<16xi32>)
        %broadcast_in_dim3A_154 = vector.shape_cast %min3A_76 : vector<16xi32> to vector<16x1xi32>
        %gather3A = vector.shape_cast %broadcast_in_dim3A_154 : vector<16x1xi32> to vector<16xi32>
        %gather3A_155 = tpu.dynamic_gather %sort3A_152[%gather3A] in [0] : vector<16xi32>, vector<16xi32> -> vector<16xi32>
        %shift_right_logical3A = arith.constant 14 : i32
        %shift_right_logical3A_156 = vector.broadcast %shift_right_logical3A : i32 to vector<16xi32>
        %shift_right_logical3A_157 = arith.shrui %sort3A_152, %shift_right_logical3A_156 : vector<16xi32>
        %shift_right_logical3A_158 = arith.constant 14 : i32
        %shift_right_logical3A_159 = vector.broadcast %shift_right_logical3A_158 : i32 to vector<16xi32>
        %shift_right_logical3A_160 = arith.shrui %gather3A_155, %shift_right_logical3A_159 : vector<16xi32>
        %ne3A_161 = arith.cmpi ne, %shift_right_logical3A_157, %shift_right_logical3A_160 : vector<16xi32>
        %iota3A_162 = tpu.iota {dimensions = array<i32: 0>} : vector<16xi32>
        %eq3A = arith.constant 15 : i32
        %eq3A_163 = vector.broadcast %eq3A : i32 to vector<16xi32>
        %eq3A_164 = arith.cmpi eq, %iota3A_162, %eq3A_163 : vector<16xi32>
        %or3A = arith.ori %ne3A_161, %eq3A_164 : vector<16xi1>
        %ne3A_165 = arith.constant 2147483647 : i32
        %ne3A_166 = vector.broadcast %ne3A_165 : i32 to vector<16xi32>
        %ne3A_167 = arith.cmpi ne, %sort3A_152, %ne3A_166 : vector<16xi32>
        %and3A_168 = arith.andi %or3A, %ne3A_167 : vector<16xi1>
        %jit3A_169 = arith.constant 0 : i32
        %broadcast_in_dim3A_170 = vector.broadcast %jit3A_169 : i32 to vector<16xi32>
        %select_n3A_171 = arith.select %and3A_168, %shift_right_logical3A_157, %broadcast_in_dim3A_170 : vector<16xi1>, vector<16xi32>
        %and3A_172 = arith.constant 16383 : i32
        %and3A_173 = vector.broadcast %and3A_172 : i32 to vector<16xi32>
        %and3A_174 = arith.andi %sort3A_152, %and3A_173 : vector<16xi32>
        %jit3A_175 = arith.constant 0 : i32
        %broadcast_in_dim3A_176 = vector.broadcast %jit3A_175 : i32 to vector<16xi32>
        %select_n3A_177 = arith.select %and3A_168, %and3A_174, %broadcast_in_dim3A_176 : vector<16xi1>, vector<16xi32>
        tpu.vector_store_idx %arg18[%select_n3A_171], %select_n3A_177 masked %and3A_168 : memref<4000xi32, #tpu.memory_space<vmem>>[vector<16xi32>], vector<16xi32>, vector<16xi1>
        %scan3A_178 = arith.constant 0 : i32
        %scan3A_179 = arith.constant 1 : i32
        %scan3A_180 = arith.addi %scan3A_126, %scan3A_179 : i32
        %mul3A_181 = arith.constant 16 : i32
        %mul3A_182 = arith.muli %scan3A_180, %mul3A_181 : i32
        %get3A_183 = arith.index_cast %mul3A_182 : i32 to index
        %get3A_184 = tpu.vector_load %arg13[%get3A_183] {strides = array<i32>} : memref<16384xi32, #tpu.memory_space<vmem>>, vector<16xi32>,
        %sub3A_185 = vector.broadcast %mul3A_2 : i32 to vector<16xi32>
        %sub3A_186 = arith.subi %get3A_184, %sub3A_185 : vector<16xi32>
        %ge3A_187 = arith.constant 0 : i32
        %ge3A_188 = vector.broadcast %ge3A_187 : i32 to vector<16xi32>
        %ge3A_189 = arith.cmpi sge, %sub3A_186, %ge3A_188 : vector<16xi32>
        %lt3A_190 = arith.constant 4000 : i32
        %lt3A_191 = vector.broadcast %lt3A_190 : i32 to vector<16xi32>
        %lt3A_192 = arith.cmpi slt, %sub3A_186, %lt3A_191 : vector<16xi32>
        %and3A_193 = arith.andi %ge3A_189, %lt3A_192 : vector<16xi1>
        %mul3A_194 = arith.constant 16 : i32
        %mul3A_195 = arith.muli %scan3A_180, %mul3A_194 : i32
        %iota3A_196 = tpu.iota {dimensions = array<i32: 0>} : vector<16xi32>
        %add3A_197 = vector.broadcast %mul3A_195 : i32 to vector<16xi32>
        %add3A_198 = arith.addi %add3A_197, %iota3A_196 : vector<16xi32>
        %mul3A_199 = arith.constant 16384 : i32
        %mul3A_200 = vector.broadcast %mul3A_199 : i32 to vector<16xi32>
        %mul3A_201 = arith.muli %sub3A_186, %mul3A_200 : vector<16xi32>
        %add3A_202 = arith.addi %mul3A_201, %add3A_198 : vector<16xi32>
        %jit3A_203 = arith.constant 2147483647 : i32
        %broadcast_in_dim3A_204 = vector.broadcast %jit3A_203 : i32 to vector<16xi32>
        %select_n3A_205 = arith.select %and3A_193, %add3A_202, %broadcast_in_dim3A_204 : vector<16xi1>, vector<16xi32>
        %sort3A_206 = arith.constant dense<true> : vector<16xi1>
        %sort3A_207, %sort3A_208, %sort3A_209 = tpu.sort %select_n3A_205, %select_n3A_205 masked %sort3A_206 : (vector<16xi32>, vector<16xi32>, vector<16xi1>) -> (vector<16xi1>, vector<16xi32>, vector<16xi32>)
        %broadcast_in_dim3A_210 = vector.shape_cast %min3A_76 : vector<16xi32> to vector<16x1xi32>
        %gather3A_211 = vector.shape_cast %broadcast_in_dim3A_210 : vector<16x1xi32> to vector<16xi32>
        %gather3A_212 = tpu.dynamic_gather %sort3A_208[%gather3A_211] in [0] : vector<16xi32>, vector<16xi32> -> vector<16xi32>
        %shift_right_logical3A_213 = arith.constant 14 : i32
        %shift_right_logical3A_214 = vector.broadcast %shift_right_logical3A_213 : i32 to vector<16xi32>
        %shift_right_logical3A_215 = arith.shrui %sort3A_208, %shift_right_logical3A_214 : vector<16xi32>
        %shift_right_logical3A_216 = arith.constant 14 : i32
        %shift_right_logical3A_217 = vector.broadcast %shift_right_logical3A_216 : i32 to vector<16xi32>
        %shift_right_logical3A_218 = arith.shrui %gather3A_212, %shift_right_logical3A_217 : vector<16xi32>
        %ne3A_219 = arith.cmpi ne, %shift_right_logical3A_215, %shift_right_logical3A_218 : vector<16xi32>
        %iota3A_220 = tpu.iota {dimensions = array<i32: 0>} : vector<16xi32>
        %eq3A_221 = arith.constant 15 : i32
        %eq3A_222 = vector.broadcast %eq3A_221 : i32 to vector<16xi32>
        %eq3A_223 = arith.cmpi eq, %iota3A_220, %eq3A_222 : vector<16xi32>
        %or3A_224 = arith.ori %ne3A_219, %eq3A_223 : vector<16xi1>
        %ne3A_225 = arith.constant 2147483647 : i32
        %ne3A_226 = vector.broadcast %ne3A_225 : i32 to vector<16xi32>
        %ne3A_227 = arith.cmpi ne, %sort3A_208, %ne3A_226 : vector<16xi32>
        %and3A_228 = arith.andi %or3A_224, %ne3A_227 : vector<16xi1>
        %jit3A_229 = arith.constant 0 : i32
        %broadcast_in_dim3A_230 = vector.broadcast %jit3A_229 : i32 to vector<16xi32>
        %select_n3A_231 = arith.select %and3A_228, %shift_right_logical3A_215, %broadcast_in_dim3A_230 : vector<16xi1>, vector<16xi32>
        %and3A_232 = arith.constant 16383 : i32
        %and3A_233 = vector.broadcast %and3A_232 : i32 to vector<16xi32>
        %and3A_234 = arith.andi %sort3A_208, %and3A_233 : vector<16xi32>
        %jit3A_235 = arith.constant 0 : i32
        %broadcast_in_dim3A_236 = vector.broadcast %jit3A_235 : i32 to vector<16xi32>
        %select_n3A_237 = arith.select %and3A_228, %and3A_234, %broadcast_in_dim3A_236 : vector<16xi1>, vector<16xi32>
        tpu.vector_store_idx %arg18[%select_n3A_231], %select_n3A_237 masked %and3A_228 : memref<4000xi32, #tpu.memory_space<vmem>>[vector<16xi32>], vector<16xi32>, vector<16xi1>
        %scan3A_238 = arith.constant 0 : i32
        scf.yield %scan3A_238 : i32
      }
      %scan3A_83 = arith.constant 1024 : i32
      "tpu.region"() ({
        %run_scoped3A = tpu.sem_alloc : memref<!tpu.dma_semaphore, #tpu.memory_space<semaphore_mem>>
        %dma_start3A = tpu.memref_slice %arg2[%mul3A_2] : memref<100000xi32, #tpu.memory_space<hbm>> -> memref<4000xi32, #tpu.memory_space<hbm>>
        %dma_start3A_126 = tpu.memref_slice %arg2[%mul3A_2] : memref<100000xi32, #tpu.memory_space<hbm>> -> memref<4000xi32, #tpu.memory_space<hbm>>
        tpu.enqueue_dma source(%dma_start3A_126 : memref<4000xi32, #tpu.memory_space<hbm>>) target(%arg16 : memref<4000xi32, #tpu.memory_space<vmem>>) target_semaphore(%run_scoped3A : memref<!tpu.dma_semaphore, #tpu.memory_space<semaphore_mem>>)
        %dma_wait3A = tpu.memref_slice %arg2[%mul3A_2] : memref<100000xi32, #tpu.memory_space<hbm>> -> memref<4000xi32, #tpu.memory_space<hbm>>
        %dma_wait3A_127 = tpu.memref_slice %arg2[%mul3A_2] : memref<100000xi32, #tpu.memory_space<hbm>> -> memref<4000xi32, #tpu.memory_space<hbm>>
        tpu.wait_dma2 semaphore(%run_scoped3A : memref<!tpu.dma_semaphore, #tpu.memory_space<semaphore_mem>>) src(%dma_wait3A_127 : memref<4000xi32, #tpu.memory_space<hbm>>) dst(%arg16 : memref<4000xi32, #tpu.memory_space<vmem>>)
        tpu.yield
      }) : () -> ()
      "tpu.region"() ({
        %run_scoped3A = tpu.sem_alloc : memref<!tpu.dma_semaphore, #tpu.memory_space<semaphore_mem>>
        %dma_start3A = tpu.memref_slice %arg3[%mul3A_2] : memref<100000xf32, #tpu.memory_space<hbm>> -> memref<4000xf32, #tpu.memory_space<hbm>>
        %dma_start3A_126 = tpu.memref_slice %arg3[%mul3A_2] : memref<100000xf32, #tpu.memory_space<hbm>> -> memref<4000xf32, #tpu.memory_space<hbm>>
        tpu.enqueue_dma source(%dma_start3A_126 : memref<4000xf32, #tpu.memory_space<hbm>>) target(%arg17 : memref<4000xf32, #tpu.memory_space<vmem>>) target_semaphore(%run_scoped3A : memref<!tpu.dma_semaphore, #tpu.memory_space<semaphore_mem>>)
        %dma_wait3A = tpu.memref_slice %arg3[%mul3A_2] : memref<100000xf32, #tpu.memory_space<hbm>> -> memref<4000xf32, #tpu.memory_space<hbm>>
        %dma_wait3A_127 = tpu.memref_slice %arg3[%mul3A_2] : memref<100000xf32, #tpu.memory_space<hbm>> -> memref<4000xf32, #tpu.memory_space<hbm>>
        tpu.wait_dma2 semaphore(%run_scoped3A : memref<!tpu.dma_semaphore, #tpu.memory_space<semaphore_mem>>) src(%dma_wait3A_127 : memref<4000xf32, #tpu.memory_space<hbm>>) dst(%arg17 : memref<4000xf32, #tpu.memory_space<vmem>>)
        tpu.yield
      }) : () -> ()
      %scan3A_84 = arith.constant 0 : i32
      %scan3A_85 = arith.constant 0 : i32
      %scan3A_86 = arith.constant 250 : i32
      %scan3A_87 = arith.addi %scan3A_85, %scan3A_86 : i32
      %scan3A_88 = arith.constant 1 : i32
      %scan3A_89 = scf.for %scan3A_126 = %scan3A_85 to %scan3A_87 step %scan3A_88 iter_args(%scan3A_127 = %scan3A_84) -> (i32)  : i32 {
        %mul3A_128 = arith.constant 16 : i32
        %mul3A_129 = arith.muli %scan3A_126, %mul3A_128 : i32
        %get3A = arith.index_cast %mul3A_129 : i32 to index
        %get3A_130 = tpu.vector_load %arg18[%get3A] {strides = array<i32>} : memref<4000xi32, #tpu.memory_space<vmem>>, vector<16xi32>,
        %ge3A = arith.constant 0 : i32
        %ge3A_131 = vector.broadcast %ge3A : i32 to vector<16xi32>
        %ge3A_132 = arith.cmpi sge, %get3A_130, %ge3A_131 : vector<16xi32>
        %jit3A_133 = arith.constant 0 : i32
        %broadcast_in_dim3A_134 = vector.broadcast %jit3A_133 : i32 to vector<16xi32>
        %select_n3A_135 = arith.select %ge3A_132, %get3A_130, %broadcast_in_dim3A_134 : vector<16xi1>, vector<16xi32>
        %gather3A = tpu.vector_load_idx %arg14[%select_n3A_135] masked %ge3A_132 : memref<16384xi32, #tpu.memory_space<vmem>>[vector<16xi32>], vector<16xi32>, vector<16xi1>
        %gather3A_136 = tpu.vector_load_idx %arg15[%select_n3A_135] masked %ge3A_132 : memref<16384xf32, #tpu.memory_space<vmem>>[vector<16xi32>], vector<16xf32>, vector<16xi1>
        %mul3A_137 = arith.constant 16 : i32
        %mul3A_138 = arith.muli %scan3A_126, %mul3A_137 : i32
        %get3A_139 = arith.index_cast %mul3A_138 : i32 to index
        %get3A_140 = tpu.vector_load %arg16[%get3A_139] {strides = array<i32>} : memref<4000xi32, #tpu.memory_space<vmem>>, vector<16xi32>,
        %select_n3A_141 = arith.select %ge3A_132, %gather3A, %get3A_140 : vector<16xi1>, vector<16xi32>
        %mul3A_142 = arith.constant 16 : i32
        %mul3A_143 = arith.muli %scan3A_126, %mul3A_142 : i32
        %swap3A_144 = arith.index_cast %mul3A_143 : i32 to index
        %swap3A_145 = tpu.vector_load %arg16[%swap3A_144] {strides = array<i32>} : memref<4000xi32, #tpu.memory_space<vmem>>, vector<16xi32>,
        tpu.vector_store %arg16[%swap3A_144], %select_n3A_141 {strides = array<i32>} : memref<4000xi32, #tpu.memory_space<vmem>>, vector<16xi32>,
        %mul3A_146 = arith.constant 16 : i32
        %mul3A_147 = arith.muli %scan3A_126, %mul3A_146 : i32
        %get3A_148 = arith.index_cast %mul3A_147 : i32 to index
        %get3A_149 = tpu.vector_load %arg17[%get3A_148] {strides = array<i32>} : memref<4000xf32, #tpu.memory_space<vmem>>, vector<16xf32>,
        %select_n3A_150 = arith.select %ge3A_132, %gather3A_136, %get3A_149 : vector<16xi1>, vector<16xf32>
        %mul3A_151 = arith.constant 16 : i32
        %mul3A_152 = arith.muli %scan3A_126, %mul3A_151 : i32
        %swap3A_153 = arith.index_cast %mul3A_152 : i32 to index
        %swap3A_154 = tpu.vector_load %arg17[%swap3A_153] {strides = array<i32>} : memref<4000xf32, #tpu.memory_space<vmem>>, vector<16xf32>,
        tpu.vector_store %arg17[%swap3A_153], %select_n3A_150 {strides = array<i32>} : memref<4000xf32, #tpu.memory_space<vmem>>, vector<16xf32>,
        %swap3A_155 = arith.index_cast %scan3A_127 : i32 to index
        %swap3A_156 = tpu.vector_load %arg19[%swap3A_155] masked %ge3A_132 {strides = array<i32>} : memref<4112xi32, #tpu.memory_space<vmem>>, vector<16xi32>, vector<16xi1>
        tpu.vector_store %arg19[%swap3A_155], %select_n3A_135 masked %ge3A_132 {strides = array<i32>} : memref<4112xi32, #tpu.memory_space<vmem>>, vector<16xi32>, vector<16xi1>
        %mul3A_157 = arith.constant 16 : i32
        %mul3A_158 = arith.muli %scan3A_126, %mul3A_157 : i32
        %add3A_159 = arith.addi %mul3A_2, %mul3A_158 : i32
        %iota3A_160 = tpu.iota {dimensions = array<i32: 0>} : vector<16xi32>
        %add3A_161 = vector.broadcast %add3A_159 : i32 to vector<16xi32>
        %add3A_162 = arith.addi %add3A_161, %iota3A_160 : vector<16xi32>
        %swap3A_163 = arith.index_cast %scan3A_127 : i32 to index
        %swap3A_164 = tpu.vector_load %arg20[%swap3A_163] masked %ge3A_132 {strides = array<i32>} : memref<4112xi32, #tpu.memory_space<vmem>>, vector<16xi32>, vector<16xi1>
        tpu.vector_store %arg20[%swap3A_163], %add3A_162 masked %ge3A_132 {strides = array<i32>} : memref<4112xi32, #tpu.memory_space<vmem>>, vector<16xi32>, vector<16xi1>
        %convert_element_type3A_165 = arith.extui %ge3A_132 : vector<16xi1> to vector<16xi32>
        %reduce_sum3A = arith.constant true
        %reduce_sum3A_166 = vector.broadcast %reduce_sum3A : i1 to vector<16xi1>
        %reduce_sum3A_167 = tpu.scan <sum>, %convert_element_type3A_165 masked %reduce_sum3A_166 : vector<16xi32>, vector<16xi1> -> vector<16xi32>
        %reduce_sum3A_168 = vector.extract %reduce_sum3A_167[15] : i32 from vector<16xi32>
        %add3A_169 = arith.addi %scan3A_127, %reduce_sum3A_168 : i32
        scf.yield %add3A_169 : i32
      }
      %scan3A_90 = arith.constant 250 : i32
      "tpu.region"() ({
        %run_scoped3A = tpu.sem_alloc : memref<!tpu.dma_semaphore, #tpu.memory_space<semaphore_mem>>
        %dma_start3A = tpu.memref_slice %arg9[%mul3A_2] : memref<100000xi32, #tpu.memory_space<hbm>> -> memref<4000xi32, #tpu.memory_space<hbm>>
        %dma_start3A_126 = tpu.memref_slice %arg9[%mul3A_2] : memref<100000xi32, #tpu.memory_space<hbm>> -> memref<4000xi32, #tpu.memory_space<hbm>>
        tpu.enqueue_dma source(%arg16 : memref<4000xi32, #tpu.memory_space<vmem>>) target(%dma_start3A_126 : memref<4000xi32, #tpu.memory_space<hbm>>) target_semaphore(%run_scoped3A : memref<!tpu.dma_semaphore, #tpu.memory_space<semaphore_mem>>)
        %dma_wait3A = tpu.memref_slice %arg9[%mul3A_2] : memref<100000xi32, #tpu.memory_space<hbm>> -> memref<4000xi32, #tpu.memory_space<hbm>>
        %dma_wait3A_127 = tpu.memref_slice %arg9[%mul3A_2] : memref<100000xi32, #tpu.memory_space<hbm>> -> memref<4000xi32, #tpu.memory_space<hbm>>
        tpu.wait_dma2 semaphore(%run_scoped3A : memref<!tpu.dma_semaphore, #tpu.memory_space<semaphore_mem>>) src(%arg16 : memref<4000xi32, #tpu.memory_space<vmem>>) dst(%dma_wait3A_127 : memref<4000xi32, #tpu.memory_space<hbm>>)
        tpu.yield
      }) : () -> ()
      "tpu.region"() ({
        %run_scoped3A = tpu.sem_alloc : memref<!tpu.dma_semaphore, #tpu.memory_space<semaphore_mem>>
        %dma_start3A = tpu.memref_slice %arg10[%mul3A_2] : memref<100000xf32, #tpu.memory_space<hbm>> -> memref<4000xf32, #tpu.memory_space<hbm>>
        %dma_start3A_126 = tpu.memref_slice %arg10[%mul3A_2] : memref<100000xf32, #tpu.memory_space<hbm>> -> memref<4000xf32, #tpu.memory_space<hbm>>
        tpu.enqueue_dma source(%arg17 : memref<4000xf32, #tpu.memory_space<vmem>>) target(%dma_start3A_126 : memref<4000xf32, #tpu.memory_space<hbm>>) target_semaphore(%run_scoped3A : memref<!tpu.dma_semaphore, #tpu.memory_space<semaphore_mem>>)
        %dma_wait3A = tpu.memref_slice %arg10[%mul3A_2] : memref<100000xf32, #tpu.memory_space<hbm>> -> memref<4000xf32, #tpu.memory_space<hbm>>
        %dma_wait3A_127 = tpu.memref_slice %arg10[%mul3A_2] : memref<100000xf32, #tpu.memory_space<hbm>> -> memref<4000xf32, #tpu.memory_space<hbm>>
        tpu.wait_dma2 semaphore(%run_scoped3A : memref<!tpu.dma_semaphore, #tpu.memory_space<semaphore_mem>>) src(%arg17 : memref<4000xf32, #tpu.memory_space<vmem>>) dst(%dma_wait3A_127 : memref<4000xf32, #tpu.memory_space<hbm>>)
        tpu.yield
      }) : () -> ()
      "tpu.region"() ({
        %run_scoped3A = tpu.sem_alloc : memref<!tpu.dma_semaphore, #tpu.memory_space<semaphore_mem>>
        %dma_start3A = tpu.memref_slice %arg12[%mul3A_2] : memref<100000xi32, #tpu.memory_space<hbm>> -> memref<4000xi32, #tpu.memory_space<hbm>>
        %dma_start3A_126 = tpu.memref_slice %arg12[%mul3A_2] : memref<100000xi32, #tpu.memory_space<hbm>> -> memref<4000xi32, #tpu.memory_space<hbm>>
        tpu.enqueue_dma source(%arg18 : memref<4000xi32, #tpu.memory_space<vmem>>) target(%dma_start3A_126 : memref<4000xi32, #tpu.memory_space<hbm>>) target_semaphore(%run_scoped3A : memref<!tpu.dma_semaphore, #tpu.memory_space<semaphore_mem>>)
        %dma_wait3A = tpu.memref_slice %arg12[%mul3A_2] : memref<100000xi32, #tpu.memory_space<hbm>> -> memref<4000xi32, #tpu.memory_space<hbm>>
        %dma_wait3A_127 = tpu.memref_slice %arg12[%mul3A_2] : memref<100000xi32, #tpu.memory_space<hbm>> -> memref<4000xi32, #tpu.memory_space<hbm>>
        tpu.wait_dma2 semaphore(%run_scoped3A : memref<!tpu.dma_semaphore, #tpu.memory_space<semaphore_mem>>) src(%arg18 : memref<4000xi32, #tpu.memory_space<vmem>>) dst(%dma_wait3A_127 : memref<4000xi32, #tpu.memory_space<hbm>>)
        tpu.yield
      }) : () -> ()
      %gt3A = arith.constant 0 : i32
      %gt3A_91 = arith.cmpi sgt, %scan3A_89, %gt3A : i32
      %convert_element_type3A_92 = arith.extui %gt3A_91 : i1 to i32
      %cond3A_93 = arith.constant 0 : i32
      %cond3A_94 = arith.cmpi ne, %convert_element_type3A_92, %cond3A_93 : i32
      scf.if %cond3A_94 {
        %sub3A_126 = arith.constant 1 : i32
        %sub3A_127 = arith.subi %scan3A_89, %sub3A_126 : i32
        %get3A = arith.index_cast %sub3A_127 : i32 to index
        %get3A_128 = tpu.vector_load %arg19[%get3A] {strides = array<i32>} : memref<4112xi32, #tpu.memory_space<vmem>>, vector<16xi32>,
        %sub3A_129 = arith.constant 1 : i32
        %sub3A_130 = arith.subi %scan3A_89, %sub3A_129 : i32
        %get3A_131 = arith.index_cast %sub3A_130 : i32 to index
        %get3A_132 = tpu.vector_load %arg20[%get3A_131] {strides = array<i32>} : memref<4112xi32, #tpu.memory_space<vmem>>, vector<16xi32>,
        %broadcast_in_dim3A_133 = arith.constant 0 : i32
        %broadcast_in_dim3A_134 = vector.broadcast %broadcast_in_dim3A_133 : i32 to vector<16xi32>
        %broadcast_in_dim3A_135 = vector.shape_cast %broadcast_in_dim3A_134 : vector<16xi32> to vector<16x1xi32>
        %gather3A = vector.shape_cast %broadcast_in_dim3A_135 : vector<16x1xi32> to vector<16xi32>
        %gather3A_136 = tpu.dynamic_gather %get3A_128[%gather3A] in [0] : vector<16xi32>, vector<16xi32> -> vector<16xi32>
        %broadcast_in_dim3A_137 = vector.shape_cast %broadcast_in_dim3A_134 : vector<16xi32> to vector<16x1xi32>
        %gather3A_138 = vector.shape_cast %broadcast_in_dim3A_137 : vector<16x1xi32> to vector<16xi32>
        %gather3A_139 = tpu.dynamic_gather %get3A_132[%gather3A_138] in [0] : vector<16xi32>, vector<16xi32> -> vector<16xi32>
        %add3A_140 = arith.constant 0 : i32
        %add3A_141 = arith.addi %scan3A_89, %add3A_140 : i32
        %swap3A_142 = arith.index_cast %add3A_141 : i32 to index
        %swap3A_143 = tpu.vector_load %arg19[%swap3A_142] {strides = array<i32>} : memref<4112xi32, #tpu.memory_space<vmem>>, vector<16xi32>,
        tpu.vector_store %arg19[%swap3A_142], %gather3A_136 {strides = array<i32>} : memref<4112xi32, #tpu.memory_space<vmem>>, vector<16xi32>,
        %add3A_144 = arith.constant 0 : i32
        %add3A_145 = arith.addi %scan3A_89, %add3A_144 : i32
        %swap3A_146 = arith.index_cast %add3A_145 : i32 to index
        %swap3A_147 = tpu.vector_load %arg20[%swap3A_146] {strides = array<i32>} : memref<4112xi32, #tpu.memory_space<vmem>>, vector<16xi32>,
        tpu.vector_store %arg20[%swap3A_146], %gather3A_139 {strides = array<i32>} : memref<4112xi32, #tpu.memory_space<vmem>>, vector<16xi32>,
        %add3A_148 = arith.constant 16 : i32
        %add3A_149 = arith.addi %scan3A_89, %add3A_148 : i32
        %swap3A_150 = arith.index_cast %add3A_149 : i32 to index
        %swap3A_151 = tpu.vector_load %arg19[%swap3A_150] {strides = array<i32>} : memref<4112xi32, #tpu.memory_space<vmem>>, vector<16xi32>,
        tpu.vector_store %arg19[%swap3A_150], %gather3A_136 {strides = array<i32>} : memref<4112xi32, #tpu.memory_space<vmem>>, vector<16xi32>,
        %add3A_152 = arith.constant 16 : i32
        %add3A_153 = arith.addi %scan3A_89, %add3A_152 : i32
        %swap3A_154 = arith.index_cast %add3A_153 : i32 to index
        %swap3A_155 = tpu.vector_load %arg20[%swap3A_154] {strides = array<i32>} : memref<4112xi32, #tpu.memory_space<vmem>>, vector<16xi32>,
        tpu.vector_store %arg20[%swap3A_154], %gather3A_139 {strides = array<i32>} : memref<4112xi32, #tpu.memory_space<vmem>>, vector<16xi32>,
        %add3A_156 = arith.constant 32 : i32
        %add3A_157 = arith.addi %scan3A_89, %add3A_156 : i32
        %swap3A_158 = arith.index_cast %add3A_157 : i32 to index
        %swap3A_159 = tpu.vector_load %arg19[%swap3A_158] {strides = array<i32>} : memref<4112xi32, #tpu.memory_space<vmem>>, vector<16xi32>,
        tpu.vector_store %arg19[%swap3A_158], %gather3A_136 {strides = array<i32>} : memref<4112xi32, #tpu.memory_space<vmem>>, vector<16xi32>,
        %add3A_160 = arith.constant 32 : i32
        %add3A_161 = arith.addi %scan3A_89, %add3A_160 : i32
        %swap3A_162 = arith.index_cast %add3A_161 : i32 to index
        %swap3A_163 = tpu.vector_load %arg20[%swap3A_162] {strides = array<i32>} : memref<4112xi32, #tpu.memory_space<vmem>>, vector<16xi32>,
        tpu.vector_store %arg20[%swap3A_162], %gather3A_139 {strides = array<i32>} : memref<4112xi32, #tpu.memory_space<vmem>>, vector<16xi32>,
        %add3A_164 = arith.constant 48 : i32
        %add3A_165 = arith.addi %scan3A_89, %add3A_164 : i32
        %swap3A_166 = arith.index_cast %add3A_165 : i32 to index
        %swap3A_167 = tpu.vector_load %arg19[%swap3A_166] {strides = array<i32>} : memref<4112xi32, #tpu.memory_space<vmem>>, vector<16xi32>,
        tpu.vector_store %arg19[%swap3A_166], %gather3A_136 {strides = array<i32>} : memref<4112xi32, #tpu.memory_space<vmem>>, vector<16xi32>,
        %add3A_168 = arith.constant 48 : i32
        %add3A_169 = arith.addi %scan3A_89, %add3A_168 : i32
        %swap3A_170 = arith.index_cast %add3A_169 : i32 to index
        %swap3A_171 = tpu.vector_load %arg20[%swap3A_170] {strides = array<i32>} : memref<4112xi32, #tpu.memory_space<vmem>>, vector<16xi32>,
        tpu.vector_store %arg20[%swap3A_170], %gather3A_139 {strides = array<i32>} : memref<4112xi32, #tpu.memory_space<vmem>>, vector<16xi32>,
        %add3A_172 = arith.constant 64 : i32
        %add3A_173 = arith.addi %scan3A_89, %add3A_172 : i32
        %swap3A_174 = arith.index_cast %add3A_173 : i32 to index
        %swap3A_175 = tpu.vector_load %arg19[%swap3A_174] {strides = array<i32>} : memref<4112xi32, #tpu.memory_space<vmem>>, vector<16xi32>,
        tpu.vector_store %arg19[%swap3A_174], %gather3A_136 {strides = array<i32>} : memref<4112xi32, #tpu.memory_space<vmem>>, vector<16xi32>,
        %add3A_176 = arith.constant 64 : i32
        %add3A_177 = arith.addi %scan3A_89, %add3A_176 : i32
        %swap3A_178 = arith.index_cast %add3A_177 : i32 to index
        %swap3A_179 = tpu.vector_load %arg20[%swap3A_178] {strides = array<i32>} : memref<4112xi32, #tpu.memory_space<vmem>>, vector<16xi32>,
        tpu.vector_store %arg20[%swap3A_178], %gather3A_139 {strides = array<i32>} : memref<4112xi32, #tpu.memory_space<vmem>>, vector<16xi32>,
        %add3A_180 = arith.constant 80 : i32
        %add3A_181 = arith.addi %scan3A_89, %add3A_180 : i32
        %swap3A_182 = arith.index_cast %add3A_181 : i32 to index
        %swap3A_183 = tpu.vector_load %arg19[%swap3A_182] {strides = array<i32>} : memref<4112xi32, #tpu.memory_space<vmem>>, vector<16xi32>,
        tpu.vector_store %arg19[%swap3A_182], %gather3A_136 {strides = array<i32>} : memref<4112xi32, #tpu.memory_space<vmem>>, vector<16xi32>,
        %add3A_184 = arith.constant 80 : i32
        %add3A_185 = arith.addi %scan3A_89, %add3A_184 : i32
        %swap3A_186 = arith.index_cast %add3A_185 : i32 to index
        %swap3A_187 = tpu.vector_load %arg20[%swap3A_186] {strides = array<i32>} : memref<4112xi32, #tpu.memory_space<vmem>>, vector<16xi32>,
        tpu.vector_store %arg20[%swap3A_186], %gather3A_139 {strides = array<i32>} : memref<4112xi32, #tpu.memory_space<vmem>>, vector<16xi32>,
      } else {
      }
      %add3A_95 = arith.constant 96 : i32
      %add3A_96 = arith.addi %scan3A_89, %add3A_95 : i32
      %sub3A = arith.constant 1 : i32
      %sub3A_97 = arith.subi %add3A_96, %sub3A : i32
      %jit3A = arith.constant 96 : i32
      %div3A = arith.divsi %sub3A_97, %jit3A : i32
      %sign3A = arith.constant 0 : i32
      %sign3A_98 = arith.cmpi sgt, %sub3A_97, %sign3A : i32
      %sign3A_99 = arith.extui %sign3A_98 : i1 to i32
      %sign3A_100 = arith.constant 0 : i32
      %sign3A_101 = arith.cmpi slt, %sub3A_97, %sign3A_100 : i32
      %sign3A_102 = arith.extui %sign3A_101 : i1 to i32
      %sign3A_103 = arith.subi %sign3A_99, %sign3A_102 : i32
      %sign3A_104 = arith.constant 0 : i32
      %sign3A_105 = arith.cmpi sgt, %jit3A, %sign3A_104 : i32
      %sign3A_106 = arith.extui %sign3A_105 : i1 to i32
      %sign3A_107 = arith.constant 0 : i32
      %sign3A_108 = arith.cmpi slt, %jit3A, %sign3A_107 : i32
      %sign3A_109 = arith.extui %sign3A_108 : i1 to i32
      %sign3A_110 = arith.subi %sign3A_106, %sign3A_109 : i32
      %ne3A = arith.cmpi ne, %sign3A_103, %sign3A_110 : i32
      %rem3A = arith.remsi %sub3A_97, %jit3A : i32
      %ne3A_111 = arith.constant 0 : i32
      %ne3A_112 = arith.cmpi ne, %rem3A, %ne3A_111 : i32
      %and3A = arith.andi %ne3A, %ne3A_112 : i1
      %sub3A_113 = arith.constant 1 : i32
      %sub3A_114 = arith.subi %div3A, %sub3A_113 : i32
      %select_n3A = arith.select %and3A, %sub3A_114, %div3A : i32
      %while3A = arith.constant 0 : i32
      %while3A_115 = arith.constant 0 : i32
      %while3A_116 = arith.subi %select_n3A, %while3A : i32
      %while3A_117 = arith.addi %while3A, %while3A_116 : i32
      %while3A_118 = arith.constant 1 : i32
      %while3A_119 = arith.divsi %while3A_116, %while3A_118 : i32
      %while3A_120 = arith.muli %while3A_119, %while3A_118 : i32
      %while3A_121 = arith.addi %while3A, %while3A_120 : i32
      %while3A_122 = arith.constant 1 : i32
      %while3A_123 = scf.for %while3A_126 = %while3A to %while3A_121 step %while3A_122 iter_args(%while3A_127 = %while3A_115) -> (i32)  : i32 {
        %mul3A_128 = arith.constant 96 : i32
        %mul3A_129 = arith.muli %while3A_126, %mul3A_128 : i32
        %add3A_130 = arith.constant 0 : i32
        %add3A_131 = arith.addi %mul3A_129, %add3A_130 : i32
        %get3A = arith.index_cast %add3A_131 : i32 to index
        %get3A_132 = tpu.vector_load %arg19[%get3A] {strides = array<i32>} : memref<4112xi32, #tpu.memory_space<vmem>>, vector<16xi32>,
        %swap3A_133 = arith.constant 0 : index
        %swap3A_134 = tpu.vector_load %arg21[%swap3A_133] {strides = array<i32>} : memref<96xi32, #tpu.memory_space<vmem>>, vector<16xi32>,
        tpu.vector_store %arg21[%swap3A_133], %get3A_132 {strides = array<i32>} : memref<96xi32, #tpu.memory_space<vmem>>, vector<16xi32>,
        %add3A_135 = arith.constant 0 : i32
        %add3A_136 = arith.addi %mul3A_129, %add3A_135 : i32
        %get3A_137 = arith.index_cast %add3A_136 : i32 to index
        %get3A_138 = tpu.vector_load %arg20[%get3A_137] {strides = array<i32>} : memref<4112xi32, #tpu.memory_space<vmem>>, vector<16xi32>,
        %swap3A_139 = arith.constant 0 : index
        %swap3A_140 = tpu.vector_load %arg22[%swap3A_139] {strides = array<i32>} : memref<96xi32, #tpu.memory_space<vmem>>, vector<16xi32>,
        tpu.vector_store %arg22[%swap3A_139], %get3A_138 {strides = array<i32>} : memref<96xi32, #tpu.memory_space<vmem>>, vector<16xi32>,
        %add3A_141 = arith.constant 16 : i32
        %add3A_142 = arith.addi %mul3A_129, %add3A_141 : i32
        %get3A_143 = arith.index_cast %add3A_142 : i32 to index
        %get3A_144 = tpu.vector_load %arg19[%get3A_143] {strides = array<i32>} : memref<4112xi32, #tpu.memory_space<vmem>>, vector<16xi32>,
        %swap3A_145 = arith.constant 16 : index
        %swap3A_146 = tpu.vector_load %arg21[%swap3A_145] {strides = array<i32>} : memref<96xi32, #tpu.memory_space<vmem>>, vector<16xi32>,
        tpu.vector_store %arg21[%swap3A_145], %get3A_144 {strides = array<i32>} : memref<96xi32, #tpu.memory_space<vmem>>, vector<16xi32>,
        %add3A_147 = arith.constant 16 : i32
        %add3A_148 = arith.addi %mul3A_129, %add3A_147 : i32
        %get3A_149 = arith.index_cast %add3A_148 : i32 to index
        %get3A_150 = tpu.vector_load %arg20[%get3A_149] {strides = array<i32>} : memref<4112xi32, #tpu.memory_space<vmem>>, vector<16xi32>,
        %swap3A_151 = arith.constant 16 : index
        %swap3A_152 = tpu.vector_load %arg22[%swap3A_151] {strides = array<i32>} : memref<96xi32, #tpu.memory_space<vmem>>, vector<16xi32>,
        tpu.vector_store %arg22[%swap3A_151], %get3A_150 {strides = array<i32>} : memref<96xi32, #tpu.memory_space<vmem>>, vector<16xi32>,
        %add3A_153 = arith.constant 32 : i32
        %add3A_154 = arith.addi %mul3A_129, %add3A_153 : i32
        %get3A_155 = arith.index_cast %add3A_154 : i32 to index
        %get3A_156 = tpu.vector_load %arg19[%get3A_155] {strides = array<i32>} : memref<4112xi32, #tpu.memory_space<vmem>>, vector<16xi32>,
        %swap3A_157 = arith.constant 32 : index
        %swap3A_158 = tpu.vector_load %arg21[%swap3A_157] {strides = array<i32>} : memref<96xi32, #tpu.memory_space<vmem>>, vector<16xi32>,
        tpu.vector_store %arg21[%swap3A_157], %get3A_156 {strides = array<i32>} : memref<96xi32, #tpu.memory_space<vmem>>, vector<16xi32>,
        %add3A_159 = arith.constant 32 : i32
        %add3A_160 = arith.addi %mul3A_129, %add3A_159 : i32
        %get3A_161 = arith.index_cast %add3A_160 : i32 to index
        %get3A_162 = tpu.vector_load %arg20[%get3A_161] {strides = array<i32>} : memref<4112xi32, #tpu.memory_space<vmem>>, vector<16xi32>,
        %swap3A_163 = arith.constant 32 : index
        %swap3A_164 = tpu.vector_load %arg22[%swap3A_163] {strides = array<i32>} : memref<96xi32, #tpu.memory_space<vmem>>, vector<16xi32>,
        tpu.vector_store %arg22[%swap3A_163], %get3A_162 {strides = array<i32>} : memref<96xi32, #tpu.memory_space<vmem>>, vector<16xi32>,
        %add3A_165 = arith.constant 48 : i32
        %add3A_166 = arith.addi %mul3A_129, %add3A_165 : i32
        %get3A_167 = arith.index_cast %add3A_166 : i32 to index
        %get3A_168 = tpu.vector_load %arg19[%get3A_167] {strides = array<i32>} : memref<4112xi32, #tpu.memory_space<vmem>>, vector<16xi32>,
        %swap3A_169 = arith.constant 48 : index
        %swap3A_170 = tpu.vector_load %arg21[%swap3A_169] {strides = array<i32>} : memref<96xi32, #tpu.memory_space<vmem>>, vector<16xi32>,
        tpu.vector_store %arg21[%swap3A_169], %get3A_168 {strides = array<i32>} : memref<96xi32, #tpu.memory_space<vmem>>, vector<16xi32>,
        %add3A_171 = arith.constant 48 : i32
        %add3A_172 = arith.addi %mul3A_129, %add3A_171 : i32
        %get3A_173 = arith.index_cast %add3A_172 : i32 to index
        %get3A_174 = tpu.vector_load %arg20[%get3A_173] {strides = array<i32>} : memref<4112xi32, #tpu.memory_space<vmem>>, vector<16xi32>,
        %swap3A_175 = arith.constant 48 : index
        %swap3A_176 = tpu.vector_load %arg22[%swap3A_175] {strides = array<i32>} : memref<96xi32, #tpu.memory_space<vmem>>, vector<16xi32>,
        tpu.vector_store %arg22[%swap3A_175], %get3A_174 {strides = array<i32>} : memref<96xi32, #tpu.memory_space<vmem>>, vector<16xi32>,
        %add3A_177 = arith.constant 64 : i32
        %add3A_178 = arith.addi %mul3A_129, %add3A_177 : i32
        %get3A_179 = arith.index_cast %add3A_178 : i32 to index
        %get3A_180 = tpu.vector_load %arg19[%get3A_179] {strides = array<i32>} : memref<4112xi32, #tpu.memory_space<vmem>>, vector<16xi32>,
        %swap3A_181 = arith.constant 64 : index
        %swap3A_182 = tpu.vector_load %arg21[%swap3A_181] {strides = array<i32>} : memref<96xi32, #tpu.memory_space<vmem>>, vector<16xi32>,
        tpu.vector_store %arg21[%swap3A_181], %get3A_180 {strides = array<i32>} : memref<96xi32, #tpu.memory_space<vmem>>, vector<16xi32>,
        %add3A_183 = arith.constant 64 : i32
        %add3A_184 = arith.addi %mul3A_129, %add3A_183 : i32
        %get3A_185 = arith.index_cast %add3A_184 : i32 to index
        %get3A_186 = tpu.vector_load %arg20[%get3A_185] {strides = array<i32>} : memref<4112xi32, #tpu.memory_space<vmem>>, vector<16xi32>,
        %swap3A_187 = arith.constant 64 : index
        %swap3A_188 = tpu.vector_load %arg22[%swap3A_187] {strides = array<i32>} : memref<96xi32, #tpu.memory_space<vmem>>, vector<16xi32>,
        tpu.vector_store %arg22[%swap3A_187], %get3A_186 {strides = array<i32>} : memref<96xi32, #tpu.memory_space<vmem>>, vector<16xi32>,
        %add3A_189 = arith.constant 80 : i32
        %add3A_190 = arith.addi %mul3A_129, %add3A_189 : i32
        %get3A_191 = arith.index_cast %add3A_190 : i32 to index
        %get3A_192 = tpu.vector_load %arg19[%get3A_191] {strides = array<i32>} : memref<4112xi32, #tpu.memory_space<vmem>>, vector<16xi32>,
        %swap3A_193 = arith.constant 80 : index
        %swap3A_194 = tpu.vector_load %arg21[%swap3A_193] {strides = array<i32>} : memref<96xi32, #tpu.memory_space<vmem>>, vector<16xi32>,
        tpu.vector_store %arg21[%swap3A_193], %get3A_192 {strides = array<i32>} : memref<96xi32, #tpu.memory_space<vmem>>, vector<16xi32>,
        %add3A_195 = arith.constant 80 : i32
        %add3A_196 = arith.addi %mul3A_129, %add3A_195 : i32
        %get3A_197 = arith.index_cast %add3A_196 : i32 to index
        %get3A_198 = tpu.vector_load %arg20[%get3A_197] {strides = array<i32>} : memref<4112xi32, #tpu.memory_space<vmem>>, vector<16xi32>,
        %swap3A_199 = arith.constant 80 : index
        %swap3A_200 = tpu.vector_load %arg22[%swap3A_199] {strides = array<i32>} : memref<96xi32, #tpu.memory_space<vmem>>, vector<16xi32>,
        tpu.vector_store %arg22[%swap3A_199], %get3A_198 {strides = array<i32>} : memref<96xi32, #tpu.memory_space<vmem>>, vector<16xi32>,
        %dma_start3A = arith.constant 0 : i32
        %dma_start3A_201 = arith.constant 0 : i32
        %dma_start3A_202 = tpu.memref_slice %arg4[%dma_start3A, %dma_start3A_201] : memref<16384x512xf32, #tpu.memory_space<hbm>> -> memref<16384x512xf32, #tpu.memory_space<hbm>>
        tpu.enqueue_indirect_dma source(%dma_start3A_202 : memref<16384x512xf32, #tpu.memory_space<hbm>>) target(%arg23 : memref<96x512xf32, #tpu.memory_space<vmem>>) offsets(%arg21 : memref<96xi32, #tpu.memory_space<vmem>>) semaphore(%arg26 : memref<!tpu.dma_semaphore, #tpu.memory_space<semaphore_mem>>)
        %dma_wait3A = arith.constant 0 : i32
        %dma_wait3A_203 = arith.constant 0 : i32
        %dma_wait3A_204 = tpu.memref_slice %arg4[%dma_wait3A, %dma_wait3A_203] : memref<16384x512xf32, #tpu.memory_space<hbm>> -> memref<16384x512xf32, #tpu.memory_space<hbm>>
        tpu.wait_indirect_dma semaphore(%arg26 : memref<!tpu.dma_semaphore, #tpu.memory_space<semaphore_mem>>) src(%dma_wait3A_204 : memref<16384x512xf32, #tpu.memory_space<hbm>>) dst(%arg23 : memref<96x512xf32, #tpu.memory_space<vmem>>)
        %dma_start3A_205 = arith.constant 0 : i32
        %dma_start3A_206 = arith.constant 0 : i32
        %dma_start3A_207 = tpu.memref_slice %arg8[%dma_start3A_205, %dma_start3A_206] : memref<100000x512xf32, #tpu.memory_space<hbm>> -> memref<100000x512xf32, #tpu.memory_space<hbm>>
        tpu.enqueue_indirect_dma source(%arg23 : memref<96x512xf32, #tpu.memory_space<vmem>>) target(%dma_start3A_207 : memref<100000x512xf32, #tpu.memory_space<hbm>>) offsets(%arg22 : memref<96xi32, #tpu.memory_space<vmem>>) semaphore(%arg26 : memref<!tpu.dma_semaphore, #tpu.memory_space<semaphore_mem>>)
        %dma_wait3A_208 = arith.constant 0 : i32
        %dma_wait3A_209 = arith.constant 0 : i32
        %dma_wait3A_210 = tpu.memref_slice %arg8[%dma_wait3A_208, %dma_wait3A_209] : memref<100000x512xf32, #tpu.memory_space<hbm>> -> memref<100000x512xf32, #tpu.memory_space<hbm>>
        tpu.wait_indirect_dma semaphore(%arg26 : memref<!tpu.dma_semaphore, #tpu.memory_space<semaphore_mem>>) src(%arg23 : memref<96x512xf32, #tpu.memory_space<vmem>>) dst(%dma_wait3A_210 : memref<100000x512xf32, #tpu.memory_space<hbm>>)
        %while3A_211 = arith.constant 0 : i32
        scf.yield %while3A_211 : i32
      }
      %while3A_124 = arith.constant 1 : i32
      %while3A_125 = scf.for %while3A_126 = %while3A_121 to %while3A_117 step %while3A_124 iter_args(%while3A_127 = %while3A_123) -> (i32)  : i32 {
        %mul3A_128 = arith.constant 96 : i32
        %mul3A_129 = arith.muli %while3A_126, %mul3A_128 : i32
        %add3A_130 = arith.constant 0 : i32
        %add3A_131 = arith.addi %mul3A_129, %add3A_130 : i32
        %get3A = arith.index_cast %add3A_131 : i32 to index
        %get3A_132 = tpu.vector_load %arg19[%get3A] {strides = array<i32>} : memref<4112xi32, #tpu.memory_space<vmem>>, vector<16xi32>,
        %swap3A_133 = arith.constant 0 : index
        %swap3A_134 = tpu.vector_load %arg21[%swap3A_133] {strides = array<i32>} : memref<96xi32, #tpu.memory_space<vmem>>, vector<16xi32>,
        tpu.vector_store %arg21[%swap3A_133], %get3A_132 {strides = array<i32>} : memref<96xi32, #tpu.memory_space<vmem>>, vector<16xi32>,
        %add3A_135 = arith.constant 0 : i32
        %add3A_136 = arith.addi %mul3A_129, %add3A_135 : i32
        %get3A_137 = arith.index_cast %add3A_136 : i32 to index
        %get3A_138 = tpu.vector_load %arg20[%get3A_137] {strides = array<i32>} : memref<4112xi32, #tpu.memory_space<vmem>>, vector<16xi32>,
        %swap3A_139 = arith.constant 0 : index
        %swap3A_140 = tpu.vector_load %arg22[%swap3A_139] {strides = array<i32>} : memref<96xi32, #tpu.memory_space<vmem>>, vector<16xi32>,
        tpu.vector_store %arg22[%swap3A_139], %get3A_138 {strides = array<i32>} : memref<96xi32, #tpu.memory_space<vmem>>, vector<16xi32>,
        %add3A_141 = arith.constant 16 : i32
        %add3A_142 = arith.addi %mul3A_129, %add3A_141 : i32
        %get3A_143 = arith.index_cast %add3A_142 : i32 to index
        %get3A_144 = tpu.vector_load %arg19[%get3A_143] {strides = array<i32>} : memref<4112xi32, #tpu.memory_space<vmem>>, vector<16xi32>,
        %swap3A_145 = arith.constant 16 : index
        %swap3A_146 = tpu.vector_load %arg21[%swap3A_145] {strides = array<i32>} : memref<96xi32, #tpu.memory_space<vmem>>, vector<16xi32>,
        tpu.vector_store %arg21[%swap3A_145], %get3A_144 {strides = array<i32>} : memref<96xi32, #tpu.memory_space<vmem>>, vector<16xi32>,
        %add3A_147 = arith.constant 16 : i32
        %add3A_148 = arith.addi %mul3A_129, %add3A_147 : i32
        %get3A_149 = arith.index_cast %add3A_148 : i32 to index
        %get3A_150 = tpu.vector_load %arg20[%get3A_149] {strides = array<i32>} : memref<4112xi32, #tpu.memory_space<vmem>>, vector<16xi32>,
        %swap3A_151 = arith.constant 16 : index
        %swap3A_152 = tpu.vector_load %arg22[%swap3A_151] {strides = array<i32>} : memref<96xi32, #tpu.memory_space<vmem>>, vector<16xi32>,
        tpu.vector_store %arg22[%swap3A_151], %get3A_150 {strides = array<i32>} : memref<96xi32, #tpu.memory_space<vmem>>, vector<16xi32>,
        %add3A_153 = arith.constant 32 : i32
        %add3A_154 = arith.addi %mul3A_129, %add3A_153 : i32
        %get3A_155 = arith.index_cast %add3A_154 : i32 to index
        %get3A_156 = tpu.vector_load %arg19[%get3A_155] {strides = array<i32>} : memref<4112xi32, #tpu.memory_space<vmem>>, vector<16xi32>,
        %swap3A_157 = arith.constant 32 : index
        %swap3A_158 = tpu.vector_load %arg21[%swap3A_157] {strides = array<i32>} : memref<96xi32, #tpu.memory_space<vmem>>, vector<16xi32>,
        tpu.vector_store %arg21[%swap3A_157], %get3A_156 {strides = array<i32>} : memref<96xi32, #tpu.memory_space<vmem>>, vector<16xi32>,
        %add3A_159 = arith.constant 32 : i32
        %add3A_160 = arith.addi %mul3A_129, %add3A_159 : i32
        %get3A_161 = arith.index_cast %add3A_160 : i32 to index
        %get3A_162 = tpu.vector_load %arg20[%get3A_161] {strides = array<i32>} : memref<4112xi32, #tpu.memory_space<vmem>>, vector<16xi32>,
        %swap3A_163 = arith.constant 32 : index
        %swap3A_164 = tpu.vector_load %arg22[%swap3A_163] {strides = array<i32>} : memref<96xi32, #tpu.memory_space<vmem>>, vector<16xi32>,
        tpu.vector_store %arg22[%swap3A_163], %get3A_162 {strides = array<i32>} : memref<96xi32, #tpu.memory_space<vmem>>, vector<16xi32>,
        %add3A_165 = arith.constant 48 : i32
        %add3A_166 = arith.addi %mul3A_129, %add3A_165 : i32
        %get3A_167 = arith.index_cast %add3A_166 : i32 to index
        %get3A_168 = tpu.vector_load %arg19[%get3A_167] {strides = array<i32>} : memref<4112xi32, #tpu.memory_space<vmem>>, vector<16xi32>,
        %swap3A_169 = arith.constant 48 : index
        %swap3A_170 = tpu.vector_load %arg21[%swap3A_169] {strides = array<i32>} : memref<96xi32, #tpu.memory_space<vmem>>, vector<16xi32>,
        tpu.vector_store %arg21[%swap3A_169], %get3A_168 {strides = array<i32>} : memref<96xi32, #tpu.memory_space<vmem>>, vector<16xi32>,
        %add3A_171 = arith.constant 48 : i32
        %add3A_172 = arith.addi %mul3A_129, %add3A_171 : i32
        %get3A_173 = arith.index_cast %add3A_172 : i32 to index
        %get3A_174 = tpu.vector_load %arg20[%get3A_173] {strides = array<i32>} : memref<4112xi32, #tpu.memory_space<vmem>>, vector<16xi32>,
        %swap3A_175 = arith.constant 48 : index
        %swap3A_176 = tpu.vector_load %arg22[%swap3A_175] {strides = array<i32>} : memref<96xi32, #tpu.memory_space<vmem>>, vector<16xi32>,
        tpu.vector_store %arg22[%swap3A_175], %get3A_174 {strides = array<i32>} : memref<96xi32, #tpu.memory_space<vmem>>, vector<16xi32>,
        %add3A_177 = arith.constant 64 : i32
        %add3A_178 = arith.addi %mul3A_129, %add3A_177 : i32
        %get3A_179 = arith.index_cast %add3A_178 : i32 to index
        %get3A_180 = tpu.vector_load %arg19[%get3A_179] {strides = array<i32>} : memref<4112xi32, #tpu.memory_space<vmem>>, vector<16xi32>,
        %swap3A_181 = arith.constant 64 : index
        %swap3A_182 = tpu.vector_load %arg21[%swap3A_181] {strides = array<i32>} : memref<96xi32, #tpu.memory_space<vmem>>, vector<16xi32>,
        tpu.vector_store %arg21[%swap3A_181], %get3A_180 {strides = array<i32>} : memref<96xi32, #tpu.memory_space<vmem>>, vector<16xi32>,
        %add3A_183 = arith.constant 64 : i32
        %add3A_184 = arith.addi %mul3A_129, %add3A_183 : i32
        %get3A_185 = arith.index_cast %add3A_184 : i32 to index
        %get3A_186 = tpu.vector_load %arg20[%get3A_185] {strides = array<i32>} : memref<4112xi32, #tpu.memory_space<vmem>>, vector<16xi32>,
        %swap3A_187 = arith.constant 64 : index
        %swap3A_188 = tpu.vector_load %arg22[%swap3A_187] {strides = array<i32>} : memref<96xi32, #tpu.memory_space<vmem>>, vector<16xi32>,
        tpu.vector_store %arg22[%swap3A_187], %get3A_186 {strides = array<i32>} : memref<96xi32, #tpu.memory_space<vmem>>, vector<16xi32>,
        %add3A_189 = arith.constant 80 : i32
        %add3A_190 = arith.addi %mul3A_129, %add3A_189 : i32
        %get3A_191 = arith.index_cast %add3A_190 : i32 to index
        %get3A_192 = tpu.vector_load %arg19[%get3A_191] {strides = array<i32>} : memref<4112xi32, #tpu.memory_space<vmem>>, vector<16xi32>,
        %swap3A_193 = arith.constant 80 : index
        %swap3A_194 = tpu.vector_load %arg21[%swap3A_193] {strides = array<i32>} : memref<96xi32, #tpu.memory_space<vmem>>, vector<16xi32>,
        tpu.vector_store %arg21[%swap3A_193], %get3A_192 {strides = array<i32>} : memref<96xi32, #tpu.memory_space<vmem>>, vector<16xi32>,
        %add3A_195 = arith.constant 80 : i32
        %add3A_196 = arith.addi %mul3A_129, %add3A_195 : i32
        %get3A_197 = arith.index_cast %add3A_196 : i32 to index
        %get3A_198 = tpu.vector_load %arg20[%get3A_197] {strides = array<i32>} : memref<4112xi32, #tpu.memory_space<vmem>>, vector<16xi32>,
        %swap3A_199 = arith.constant 80 : index
        %swap3A_200 = tpu.vector_load %arg22[%swap3A_199] {strides = array<i32>} : memref<96xi32, #tpu.memory_space<vmem>>, vector<16xi32>,
        tpu.vector_store %arg22[%swap3A_199], %get3A_198 {strides = array<i32>} : memref<96xi32, #tpu.memory_space<vmem>>, vector<16xi32>,
        %dma_start3A = arith.constant 0 : i32
        %dma_start3A_201 = arith.constant 0 : i32
        %dma_start3A_202 = tpu.memref_slice %arg4[%dma_start3A, %dma_start3A_201] : memref<16384x512xf32, #tpu.memory_space<hbm>> -> memref<16384x512xf32, #tpu.memory_space<hbm>>
        tpu.enqueue_indirect_dma source(%dma_start3A_202 : memref<16384x512xf32, #tpu.memory_space<hbm>>) target(%arg23 : memref<96x512xf32, #tpu.memory_space<vmem>>) offsets(%arg21 : memref<96xi32, #tpu.memory_space<vmem>>) semaphore(%arg26 : memref<!tpu.dma_semaphore, #tpu.memory_space<semaphore_mem>>)
        %dma_wait3A = arith.constant 0 : i32
        %dma_wait3A_203 = arith.constant 0 : i32
        %dma_wait3A_204 = tpu.memref_slice %arg4[%dma_wait3A, %dma_wait3A_203] : memref<16384x512xf32, #tpu.memory_space<hbm>> -> memref<16384x512xf32, #tpu.memory_space<hbm>>
        tpu.wait_indirect_dma semaphore(%arg26 : memref<!tpu.dma_semaphore, #tpu.memory_space<semaphore_mem>>) src(%dma_wait3A_204 : memref<16384x512xf32, #tpu.memory_space<hbm>>) dst(%arg23 : memref<96x512xf32, #tpu.memory_space<vmem>>)
        %dma_start3A_205 = arith.constant 0 : i32
        %dma_start3A_206 = arith.constant 0 : i32
        %dma_start3A_207 = tpu.memref_slice %arg8[%dma_start3A_205, %dma_start3A_206] : memref<100000x512xf32, #tpu.memory_space<hbm>> -> memref<100000x512xf32, #tpu.memory_space<hbm>>
        tpu.enqueue_indirect_dma source(%arg23 : memref<96x512xf32, #tpu.memory_space<vmem>>) target(%dma_start3A_207 : memref<100000x512xf32, #tpu.memory_space<hbm>>) offsets(%arg22 : memref<96xi32, #tpu.memory_space<vmem>>) semaphore(%arg26 : memref<!tpu.dma_semaphore, #tpu.memory_space<semaphore_mem>>)
        %dma_wait3A_208 = arith.constant 0 : i32
        %dma_wait3A_209 = arith.constant 0 : i32
        %dma_wait3A_210 = tpu.memref_slice %arg8[%dma_wait3A_208, %dma_wait3A_209] : memref<100000x512xf32, #tpu.memory_space<hbm>> -> memref<100000x512xf32, #tpu.memory_space<hbm>>
        tpu.wait_indirect_dma semaphore(%arg26 : memref<!tpu.dma_semaphore, #tpu.memory_space<semaphore_mem>>) src(%arg23 : memref<96x512xf32, #tpu.memory_space<vmem>>) dst(%dma_wait3A_210 : memref<100000x512xf32, #tpu.memory_space<hbm>>)
        %while3A_211 = arith.constant 0 : i32
        scf.yield %while3A_211 : i32
      }
    } else {
    }
    return
  }
}

module attributes {stable_mosaic.version = 14 : i64} {
  func.func @_tc_merge_kernel(%arg0: i32, %arg1: memref<2000x512xf32, #tpu.memory_space<vmem>>, %arg2: memref<2000x512xf32, #tpu.memory_space<vmem>>, %arg3: memref<2000x1xi32, #tpu.memory_space<vmem>>, %arg4: memref<2000x512xf32, #tpu.memory_space<vmem>>) attributes {dimension_semantics = [#tpu.dimension_semantics<arbitrary>], iteration_bounds = array<i64: 50>, scalar_prefetch = 0 : i64, scratch_operands = 0 : i64, tpu.core_type = #tpu.core_type<tc>, window_params = [{transform_indices = @transform_0, window_bounds = array<i64: 2000, 512>}, {transform_indices = @transform_1, window_bounds = array<i64: 2000, 512>}, {transform_indices = @transform_2, window_bounds = array<i64: 2000, 1>}, {transform_indices = @transform_3, window_bounds = array<i64: 2000, 512>}]} {
    %get3A = arith.constant 0 : index
    %get3A_0 = arith.constant 0 : index
    %get3A_1 = vector.load %arg3[%get3A, %get3A_0] : memref<2000x1xi32, #tpu.memory_space<vmem>>, vector<2000x1xi32>
    %ge3A = arith.constant 0 : i32
    %ge3A_2 = vector.broadcast %ge3A : i32 to vector<2000x1xi32>
    %ge3A_3 = arith.cmpi sge, %get3A_1, %ge3A_2 : vector<2000x1xi32>
    %get3A_4 = arith.constant 0 : index
    %get3A_5 = arith.constant 0 : index
    %get3A_6 = vector.load %arg2[%get3A_4, %get3A_5] : memref<2000x512xf32, #tpu.memory_space<vmem>>, vector<2000x512xf32>
    %get3A_7 = arith.constant 0 : index
    %get3A_8 = arith.constant 0 : index
    %get3A_9 = vector.load %arg1[%get3A_7, %get3A_8] : memref<2000x512xf32, #tpu.memory_space<vmem>>, vector<2000x512xf32>
    %broadcast_in_dim3A = vector.shape_cast %ge3A_3 : vector<2000x1xi1> to vector<2000x1xi1>
    %broadcast_in_dim3A_10 = vector.broadcast %broadcast_in_dim3A : vector<2000x1xi1> to vector<2000x512xi1>
    %select_n3A = arith.select %broadcast_in_dim3A_10, %get3A_6, %get3A_9 : vector<2000x512xi1>, vector<2000x512xf32>
    %swap3A = arith.constant 0 : index
    %swap3A_11 = arith.constant 0 : index
    %swap3A_12 = vector.load %arg4[%swap3A, %swap3A_11] : memref<2000x512xf32, #tpu.memory_space<vmem>>, vector<2000x512xf32>
    tpu.vector_store %arg4[%swap3A, %swap3A_11], %select_n3A {strides = array<i32>} : memref<2000x512xf32, #tpu.memory_space<vmem>>, vector<2000x512xf32>,
    return
  }
  func.func @transform_0(%arg0: i32) -> (i32, i32) {
    %c0_i32 = arith.constant 0 : i32
    %c0_i32_0 = arith.constant 0 : i32
    return %arg0, %c0_i32 : i32, i32
  }
  func.func @transform_1(%arg0: i32) -> (i32, i32) {
    %c0_i32 = arith.constant 0 : i32
    %c0_i32_0 = arith.constant 0 : i32
    return %arg0, %c0_i32 : i32, i32
  }
  func.func @transform_2(%arg0: i32) -> (i32, i32) {
    %c0_i32 = arith.constant 0 : i32
    %c0_i32_0 = arith.constant 0 : i32
    return %arg0, %c0_i32 : i32, i32
  }
  func.func @transform_3(%arg0: i32) -> (i32, i32) {
    %c0_i32 = arith.constant 0 : i32
    %c0_i32_0 = arith.constant 0 : i32
    return %arg0, %c0_i32 : i32, i32
  }
}

</mosaic_0001>

<sc_bundles>
// kernel: kernel.5.cloned.1.call-start
scs
__scs_entry_jumppad:
0x0: {  	(pc) =	sbr.rel $0x88, $3  }
0x1: {  	(tag) =	ssettag $0x0;
	lr =	simm.s32 $0x1  }
0x2: {  	[smem:$0x3F99] =	sst lr;
	_ =	strace $0xD0000000  }
0x3: {  	_ = 	snop  }
0x4: {  	_ = 	snop  }
0x5: {  	_ = 	snop  }
0x6: {  	_ = 	snop  }
0x7: {  	_ = 	snop  }
__scs_overlays_trampoline_lowered:
0x8: {  	[smem:$0x3FA8] =	sst s0  }
0x9: {  	[smem:$0x3FA9] =	sst s1  }
0xa: {  	[smem:$0x3FAA] =	sst s2  }
0xb: {  	[smem:$0x3FAB] =	sst s3  }
0xc: {  	[smem:$0x3FAC] =	sst s4  }
0xd: {  	[smem:$0x3FAD] =	sst s5  }
0xe: {  	[smem:$0x3FAE] =	sst s6  }
0xf: {  	[smem:$0x3FAF] =	sst s7  }
0x10: {  	[smem:$0x3FB0] =	sst s8  }
0x11: {  	[smem:$0x3FB1] =	sst s9;
	s0 =	simm.s32 @!p0 $0x0  }
0x12: {  	s1 =	sld [smem:$0x3F97];
	s0 =	simm.s32 @p0 $0x1  }
0x13: {  	[smem:$0x3FB2] =	sst s0;
	s0 =	simm.s32 @!p1 $0x0  }
0x14: {  	s2 =	sld [smem:$0x3F96];
	s0 =	simm.s32 @p1 $0x1  }
0x15: {  	[smem:$0x3FB3] =	sst s0;
	s0 =	simm.s32 @!p2 $0x0  }
0x16: {  	s3 =	sld [smem:$0x3FDB];
	s0 =	simm.s32 @p2 $0x1  }
0x17: {  	s4 =	simm.s32 $0x1BF5;
	[smem:$0x3FB5] =	sst s0  }
0x18: {  	s0 =	sld [smem:$0x3F98];
	_ =	swait.ge [sflag:s4], $0x0  }
0x19: {  	s7 =	sld [smem:$0x3F99]  }
0x1a: {  	s8 =	sadd.s32 $0xFFFFE003, lr  }
0x1b: {  	s9 =	sadd.s32 $0xFFFFFEF7, lr;
	s5 =	simm.s32 $0xFFFFFFFF;
	p2 =	slt.u32 s8, $0xFFFFF086  }
0x1c: {  	p1 =	slt.u32 s9, $0xF7A;
	s5 =	simm.s32 @!p2 $0x0  }
0x1d: {  	s5 =	simm.s32 @p1 $0x1;
	p0 =	seq.s32 s7, s2  }
0x1e: {  	s7 =	smul.u32 @!p0 $0xF7A, s2;
	p2 =	seq.s32 @!p0 s5, $0x0  }
0x1f: {  	s9 =	smul.u32 $0xF7A, s1;
	s8 =	simm.s32 @!p0 $0x1BF5;
	p2 =	por !p2, p0  }
0x20: {  	[sflag:s8] =	ssyncset.s32 @!p0 $0xFFFFF086;
	s6 =	sadd.s32 @!p0 s3, s7;
	s7 =	simm.s32 @!p0 $0x108  }
0x21: {  	s3 =	sadd.s32 s3, s9;
	s6 =	sadd.s32 @!p0 $0x88, s6;
	s7 =	simm.s32 @p2 $0x1082  }
0x22: {  	[simem:s7], [sflag:s8] =	dma.local @!p0 [hbm:s6], $0xF7A  }
0x23: {  	s9 =	sor.u32 $0xD0000000, s2;
	s6 =	simm.s32 $0x108;
	_ =	swait.ge @!p0 [sflag:s8], $0x0  }
0x24: {  	s3 =	sadd.s32 $0x88, s3;
	s6 =	simm.s32 @!p1 $0x1082;
	[sflag:s4] =	ssyncset.s32 $0xFFFFF086  }
0x25: {  	[simem:s6], [sflag:s4] =	dma.local [hbm:s3], $0xF7A  }
0x26: {  	[smem:$0x3F99] =	sst s1;
	(tag) =	ssettag s2;
	_ =	strace s9  }
0x27: {  	s1 =	sld [smem:$0x3FA9]  }
0x28: {  	s2 =	sld [smem:$0x3FAA]  }
0x29: {  	s4 =	sld [smem:$0x3FAC]  }
0x2a: {  	p0 =	seq.s32 s5, $0x0;
	s5 =	sld [smem:$0x3FAD]  }
0x2b: {  	s6 =	sld [smem:$0x3FAE]  }
0x2c: {  	s7 =	sld [smem:$0x3FAF]  }
0x2d: {  	s3 =	simm.s32 $0x108;
	s8 =	sld [smem:$0x3FB0]  }
0x2e: {  	s3 =	simm.s32 @!p0 $0x1082;
	s9 =	sld [smem:$0x3FB1]  }
0x2f: {  	lr =	sadd.s32 s0, s3;
	s0 =	sld [smem:$0x3FA8]  }
0x30: {  	s3 =	sld [smem:$0x3FAB]  }
0x31: {  	[smem:$0x3FB4] =	sst s10  }
0x32: {  	s10 =	sld [smem:$0x3FB2];
	_ =	sdelay $0x3  }
0x33: {  	p0 =	seq.s32 s10, $0x1;
	s10 =	sld [smem:$0x3FB4];
	_ =	sdelay $0x3  }
0x34: {  	[smem:$0x3FB4] =	sst s10  }
0x35: {  	s10 =	sld [smem:$0x3FB3];
	_ =	sdelay $0x3  }
0x36: {  	p1 =	seq.s32 s10, $0x1;
	s10 =	sld [smem:$0x3FB4];
	_ =	sdelay $0x3  }
0x37: {  	[smem:$0x3FB4] =	sst s10  }
0x38: {  	s10 =	sld [smem:$0x3FB5]  }
0x39: {  	_ = 	snop;
	(pc) =	sbr.ind lr, $3  }
0x3a: {  	_ = 	snop  }
0x3b: {  	_ = 	snop  }
0x3c: {  	p2 =	seq.s32 s10, $0x1;
	s10 =	sld [smem:$0x3FB4]  }
0x3d: {  	_ =	shalt  }
0x3e: {  	_ =	shalt  }
0x3f: {  	_ =	shalt  }
0x40: {  	_ =	shalt  }
0x41: {  	_ =	shalt  }
0x42: {  	_ =	shalt  }
0x43: {  	_ =	shalt  }
0x44: {  	_ =	shalt  }
0x45: {  	_ =	shalt  }
0x46: {  	_ =	shalt  }
0x47: {  	_ =	shalt  }
0x48: {  	_ =	shalt  }
0x49: {  	_ =	shalt  }
0x4a: {  	_ =	shalt  }
0x4b: {  	_ =	shalt  }
0x4c: {  	_ =	shalt  }
0x4d: {  	_ =	shalt  }
0x4e: {  	_ =	shalt  }
0x4f: {  	_ =	shalt  }
0x50: {  	_ =	shalt  }
0x51: {  	_ =	shalt  }
0x52: {  	_ =	shalt  }
0x53: {  	_ =	shalt  }
0x54: {  	_ =	shalt  }
0x55: {  	_ =	shalt  }
0x56: {  	_ =	shalt  }
0x57: {  	_ =	shalt  }
0x58: {  	_ =	shalt  }
0x59: {  	_ =	shalt  }
0x5a: {  	_ =	shalt  }
0x5b: {  	_ =	shalt  }
0x5c: {  	_ =	shalt  }
0x5d: {  	_ =	shalt  }
0x5e: {  	_ =	shalt  }
0x5f: {  	_ =	shalt  }
0x60: {  	_ =	shalt  }
0x61: {  	_ =	shalt  }
0x62: {  	_ =	shalt  }
0x63: {  	_ =	shalt  }
0x64: {  	_ =	shalt  }
0x65: {  	_ =	shalt  }
0x66: {  	_ =	shalt  }
0x67: {  	_ =	shalt  }
0x68: {  	_ =	shalt  }
0x69: {  	_ =	shalt  }
0x6a: {  	_ =	shalt  }
0x6b: {  	_ =	shalt  }
0x6c: {  	_ =	shalt  }
0x6d: {  	_ =	shalt  }
0x6e: {  	_ =	shalt  }
0x6f: {  	_ =	shalt  }
0x70: {  	_ =	shalt  }
0x71: {  	_ =	shalt  }
0x72: {  	_ =	shalt  }
0x73: {  	_ =	shalt  }
0x74: {  	_ =	shalt  }
0x75: {  	_ =	shalt  }
0x76: {  	_ =	shalt  }
0x77: {  	_ =	shalt  }
0x78: {  	_ =	shalt  }
0x79: {  	_ =	shalt  }
0x7a: {  	_ =	shalt  }
0x7b: {  	_ =	shalt  }
0x7c: {  	_ =	shalt  }
0x7d: {  	_ =	shalt  }
0x7e: {  	_ =	shalt  }
0x7f: {  	_ =	shalt  }
0x80: {  	_ =	shalt  }
0x81: {  	_ =	shalt  }
0x82: {  	_ =	shalt  }
0x83: {  	_ =	shalt  }
0x84: {  	_ =	shalt  }
0x85: {  	_ =	shalt  }
0x86: {  	_ =	shalt  }
0x87: {  	_ =	shalt  }
.Lfunc_end0:
.L_simem_size_0:
called_computation_lowered:
.L_overlay_start_0:
0x88: {  	s2 =	sld [smem:$0x3FD9]  }
0x89: {  	s3 =	sld [smem:$0x3FFE];
	_ =	sdelay $0x1  }
0x8a: {  	s1 =	srdreg.scid  }
0x8b: {  	s0 =	sand.u32 $0x1, s1  }
0x8c: {  	s30 =	sshll.u32 s0, $0xA;
	s2 =	sadd.s32 s3, s2  }
0x8d: {  	s2 =	sadd.s32 s2, s30  }
0x8e: {  	[smem:$0x3FC0] =	sst s2  }
0x8f: {  	_ = 	snop  }
0x90: {  	s2 =	sld [smem:$0x3FC8]  }
0x91: {  	s31 =	sld [smem:$0x3FC7]  }
0x92: {  	s4 =	sld [smem:$0x3FC5]  }
0x93: {  	s5 =	sld [smem:$0x3FD0]  }
0x94: {  	s6 =	sld [smem:$0x3FC4]  }
0x95: {  	s7 =	sld [smem:$0x3FC3]  }
0x96: {  	s9 =	simm.s32 $0xA;
	s10 =	simm.s32 $0x10;
	s8 =	sld [smem:$0x3FC2]  }
0x97: {  	[smem:s10], [sflag:s9] =	dma.local [hbm:s5], $0x1  }
0x98: {  	_ =	swait.eq [sflag:s9], $0x1  }
0x99: {  	s16 =	sld [smem:$0x10];
	[sflag:s9] =	ssyncset.done $0x0  }
0x9a: {  	s17 =	sld [smem:$0x11];
	[sflag:s9] =	ssyncadd.s32 $0xFFFFFFFF  }
0x9b: {  	s18 =	sld [smem:$0x12];
	(tm) =	ssettm $0x1  }
0x9c: {  	s11 =	sld [smem:$0x3FFB];
	_ =	sdelay $0x3  }
0x9d: {  	_ =	strace s11  }
0x9e: {  	s11 =	sld [smem:$0x3FFC];
	_ =	sdelay $0x3  }
0x9f: {  	_ =	strace s11  }
0xa0: {  	s11 =	sld [smem:$0x3FFD];
	_ =	sdelay $0x3  }
0xa1: {  	_ =	strace s11  }
0xa2: {  	_ =	strace $0x8FFFFFFF  }
0xa3: {  	s19 =	sld [smem:$0x3FDB];
	_ =	sdelay $0x1  }
0xa4: {  	s12 =	simm.s32 $_scs_section_size  }
0xa5: {  	s13 =	simm.s32 $_size__tile_overlayer_lowered;
	s14 =	simm.s32 $_tile_overlayer_lowered  }
0xa6: {  	s22 =	simm.s32 $0x1BFF;
	s21 =	sshll.u32 s14, $0x1;
	s11 =	sadd.s32 s12, s19  }
0xa7: {  	s15 =	simm.s32 $0x0;
	s20 =	sshll.u32 s13, $0x1;
	s13 =	sadd.s32 s21, s11  }
0xa8: {  	[timem:s15], [sflag:s22] =	dma.local [hbm:s13], s20  }
0xa9: {  	_ =	swait.ge [sflag:s22], s20  }
0xaa: {  	s12 =	ssub.s32 $0x0, s20;
	[sflag:s22] =	ssyncset.done $0x0  }
0xab: {  	[sflag:s22] =	ssyncadd.s32 s12;
	_ =	sdelay $0x1  }
0xac: {  	s23 =	simm.s32 $0x1B8B  }
0xad: {  	_ =	swait.ge [sflag:s23], $0x1  }
0xae: {  	[sflag:s23] =	ssyncset.done $0x0  }
0xaf: {  	s25 =	simm.s32 $0x1B8E;
	s24 =	sld [smem:$0x3FFE];
	[sflag:s23] =	ssyncadd.s32 $0xFFFFFFFF  }
0xb0: {  	s26 =	simm.s32 $execute0_lowered;
	[smem:$0x3FD2] =	sst s25  }
0xb1: {  	s13 =	sshll.u32 s26, $0x1;
	_ =	strace $0x80000046;
	[dreg:$0x1] =	wrdreg $0xFFFFFFFF  }
0xb2: {  	s28 =	simm.s32 $_size_execute0_lowered;
	s11 =	sadd.s32 s11, s13;
	[dreg:$0x0] =	wrdreg $0x0  }
0xb3: {  	s13 =	sshll.u32 s28, $0x1;
	[dreg:$0x2] =	wrdreg s11  }
0xb4: {  	[dreg:$0x3] =	wrdreg s13  }
0xb5: {  	[dreg:$0x4] =	wrdreg $0xC0  }
0xb6: {  	_ =	task [dreg:s15], $0x5FFFF  }
0xb7: {  	[dreg:$0x1] =	wrdreg $0xFFFFFFFF  }
0xb8: {  	[dreg:$0x0] =	wrdreg $0x60  }
0xb9: {  	[dreg:$0x2] =	wrdreg s2  }
0xba: {  	[dreg:$0x3] =	wrdreg s31  }
0xbb: {  	[dreg:$0x4] =	wrdreg s4  }
0xbc: {  	[dreg:$0x5] =	wrdreg s6  }
0xbd: {  	[dreg:$0x6] =	wrdreg s7  }
0xbe: {  	[dreg:$0x7] =	wrdreg s8  }
0xbf: {  	[dreg:$0x8] =	wrdreg s24  }
0xc0: {  	[dreg:$0x9] =	wrdreg s17  }
0xc1: {  	[dreg:$0xa] =	wrdreg s18  }
0xc2: {  	[dreg:$0xb] =	wrdreg s16  }
0xc3: {  	[dreg:$0xc] =	wrdreg $0x9  }
0xc4: {  	_ =	task.clear_ibuf [dreg:s15], $0xDFFFF;
	_ =	strace $0x90000046  }
0xc5: {  	s29 =	simm.s32 $0x9;
	_ =	strace $0x80000048  }
0xc6: {  	_ =	swait.ge [sflag:s29], $0x1  }
0xc7: {  	[sflag:s29] =	ssyncadd.s32 $0xFFFFFFFF  }
0xc8: {  	_ =	strace $0x90000048  }
0xc9: {  	_ =	sfence  }
0xca: {  	s30 =	sld [smem:$0x0];
	_ =	sdelay $0x2  }
0xcb: {  	s31 =	sshll.u32 s1, $0xD;
	s1 =	sshrl.u32 s1, $0x2  }
0xcc: {  	s3 =	sand.u32 $0x4000, s31;
	s1 =	sadd.s32 s1, s30  }
0xcd: {  	s0 =	sor.u32 s3, s0;
	s1 =	sshll.u32 s1, $0x11  }
0xce: {  	s0 =	sor.u32 s1, s0  }
0xcf: {  	s0 =	sadd.s32 $0x8F2B, s0  }
0xd0: {  	[sflag:s0] =	ssyncadd.remote.s32 $0x1  }
0xd1: {  	_ =	sfence.sel $0xFFFF  }
0xd2: {  	[dreg:$0x0] =	wrdreg $0xFFFFFFFF;
	(pc) =	sbr.abs _section_cstart, $3  }
0xd3: {  	[dreg:$0x1] =	wrdreg $0xFFFFFFFF  }
0xd4: {  	_ =	task.clear_ibuf [dreg:s15], $0x2FFFF;
	_ =	strace $0x9FFFFFFF  }
0xd5: {  	(tm) =	ssettm $0x7FFFFFFF  }
tec
execute0_lowered:
.L_overlay_start_1:
0x0: {  	(tag) =	ssettag $0x1  }
0x1: {  	s17 =	rddreg [dreg:$0x0]  }
0x2: {  	s0 =	rddreg [dreg:$0x1]  }
0x3: {  	s1 =	rddreg [dreg:$0x2]  }
0x4: {  	s2 =	rddreg [dreg:$0x6]  }
0x5: {  	s3 =	rddreg [dreg:$0x7]  }
0x6: {  	s4 =	rddreg [dreg:$0x8]  }
0x7: {  	s5 =	rddreg [dreg:$0x9];
	s6 =	simm.s32 $0x0;
	s7 =	srdreg.scid  }
0x8: {  	s15 =	stileid.u32;
	s30 =	simm.s32 $0x17A00;
	s31 =	simm.s32 $0x19A00  }
0x9: {  	s29 =	simm.s32 $0x1;
	[smem:$0x7FF] =	sst s6;
	s8 =	sadd.s32 $0xC00, s2  }
0xa: {  	s7 =	sand.u32 $0x1, s7;
	s9 =	sshll.u32 s15, $0x8;
	s11 =	sshll.u32 s15, $0x1  }
0xb: {  	s23 =	smul.u32 $0x1F40, s15;
	_ =	strace $0x80000047;
	s10 =	ssub.s32 $0x2, s7  }
0xc: {  	s9 =	sand.u32 $0xC00, s9;
	s11 =	sor.u32 s7, s11;
	s25 =	smul.u32 $0xFA0, s7  }
0xd: {  	s12 =	sshrl.u32 s10, $0x1;
	s13 =	sadd.s32 s9, s2;
	s18 =	sshll.u32 s11, $0x4  }
0xe: {  	s14 =	smul.u32 $0xFA0, s11;
	s19 =	sshll.u32 s11, $0x9;
	p0 =	sgt.u32 s11, $0x18  }
0xf: {  	s10 =	ssub.s32 s10, s12;
	s16 =	sor.u32 $0x80, s19;
	[dreg:$0x16] =	wrdreg s19  }
0x10: {  	v0 =	vimm.s32 $0xFFEDCBA9;
	v1 =	vimm.s32 $0x87654321;
	s12 =	sand.u32 $0x70, s18;
	s20 =	sor.u32 $0x100, s19;
	[dreg:$0xb] =	wrdreg s16  }
0x11: {  	v0 =	vunpack.c.l.s4.s8 v0;
	v1 =	vunpack.c.l.s4.s8 v1;
	s9 =	sor.u32 $0x180, s19;
	s19 =	sadd.s32 $0x100, s1;
	[dreg:$0xc] =	wrdreg s20  }
0x12: {  	s12 =	sadd.s32 s12, s13;
	[dreg:$0xd] =	wrdreg s9;
	s28 =	smax.u32 s10, $0x1  }
0x13: {  	v0 =	vunpack.c.0.s8.s32 v0;
	v1 =	vunpack.c.0.s8.s32 v1;
	s21 =	sshrl.u32 s14, $0x3;
	s12 =	sadd.s32 $0x61B400, s12;
	[dreg:$0x14] =	wrdreg s28  }
0x14: {  	s20 =	sadd.s32 $0xD00, s2;
	s22 =	sadd.s32 s17, s21;
	[dreg:$0xe] =	wrdreg s12  }
0x15: {  	v5 =	vcombine.low v1, v0;
	v0 =	vmov s14;
	s14 =	simm.s32 $0x18A00;
	s0 =	sadd.s32 s0, s21;
	[dreg:$0xf] =	wrdreg s22  }
0x16: {  	s9 =	simm.s32 $0x1A200;
	s3 =	sadd.s32 s3, s21;
	[dreg:$0x10] =	wrdreg s0  }
.Ltmp0:
0x17: {  	s24 =	sadd.s32 s4, s21;
	[dreg:$0x11] =	wrdreg s3;
	(pc) =	sbr.rel .LBB2_1-.Ltmp0, $4  }
0x18: {  	v2 =	vimm.s32 $0xFFFFFFFF;
	v3 =	vimm.s32 $0x1;
	s26 =	sadd.s32 s5, s21;
	s21 =	simm.s32 $0x1CA00;
	[dreg:$0x12] =	wrdreg s24  }
0x19: {  	v4 =	vlaneseq.u32;
	vm0 =	vcmask $0x3F3C;
	vm1 =	vmmov $0xffff;
	[dreg:$0x13] =	wrdreg s26;
	s0 =	sadd.s32 s25, s23;
	s24 =	simm.s32 $0x4000  }
0x1a: {  	v6 =	vand.u32 $0x7, v4;
	v7 =	vshrl.u32 v4, $0x3;
	v8 =	vor.u32 $0x8, v4;
	s25 =	simm.s32 $0x8000;
	s12 =	simm.s32 $0x16200;
	s23 =	simm.s32 $0x19200  }
0x1b: {  	v7 =	vmul.u32 $0x8, v7;
	v1 =	vimm.s32 $0x0;
	v5 =	vand.u32 $0xF, v5;
	s22 =	simm.s32 $0x11200;
	[dreg:$0x15] =	wrdreg s0;
	s0 =	simm.s32 $0x0  }
.LBB2_11:
0x1c: {  	s0 =	rddreg [dreg:$0x17]  }
0x1d: {  	s7 =	rddreg [dreg:$0x14];
	s0 =	sadd.s32 $0x1, s0  }
0x1e: {  	p1 =	sne.s32 s0, s7  }
.Ltmp1:
0x1f: {  	_ = 	snop;
	(pc) =	sbr.rel @!p1 .LBB2_12-.Ltmp1, $1  }
0x20: {  	_ =	sdelay $0x3  }
.LBB2_1:
0x21: {  	[dreg:$0x17] =	wrdreg s0  }
0x22: {  	s7 =	rddreg [dreg:$0x4];
	s10 =	simm.s32 $0x2  }
0x23: {  	[tilespmem:s6], [sflag:$0x2] =	stream.linear.gather [hbm4b:s7+s6], $0x4000, $0x38;
	[tilespmem:$0x1D680] =	vst v63  }
0x24: {  	_ =	swait.ge [sflag:s10], $0x4000  }
0x25: {  	[sflag:s10] =	ssyncset.done $0x0  }
0x26: {  	[sflag:s10] =	ssyncadd.s32 $0xFFFFC000  }
0x27: {  	s2 =	rddreg [dreg:$0x3]  }
0x28: {  	[tilespmem:s24], [sflag:$0x2] =	stream.linear.gather [hbm4b:s2+s6], $0x4000, $0x38;
	[tilespmem:$0x1D680] =	vst v63  }
0x29: {  	_ =	swait.ge [sflag:s10], $0x4000  }
0x2a: {  	[sflag:s10] =	ssyncset.done $0x0  }
0x2b: {  	[sflag:s10] =	ssyncadd.s32 $0xFFFFC000  }
0x2c: {  	s11 =	rddreg [dreg:$0x5]  }
0x2d: {  	[tilespmem:s25], [sflag:$0x2] =	stream.linear.gather [hbm4b:s11+s6], $0x4000, $0x38;
	[tilespmem:$0x1D680] =	vst v63  }
0x2e: {  	_ =	swait.ge [sflag:s10], $0x4000  }
0x2f: {  	[sflag:s10] =	ssyncset.done $0x0  }
0x30: {  	[sflag:s10] =	ssyncadd.s32 $0xFFFFC000  }
0x31: {  	[tilespmem:$0x1D280] =	vst v1  }
0x32: {  	[tilespmem:$0x1D290] =	vst v1  }
0x33: {  	[tilespmem:$0x1D2A0] =	vst v1  }
0x34: {  	[tilespmem:$0x1D2B0] =	vst v1  }
0x35: {  	[tilespmem:$0x1D2C0] =	vst v1  }
0x36: {  	[tilespmem:$0x1D2D0] =	vst v1  }
0x37: {  	[tilespmem:$0x1D2E0] =	vst v1  }
0x38: {  	[tilespmem:$0x1D2F0] =	vst v1  }
0x39: {  	[tilespmem:$0x1D300] =	vst v1  }
0x3a: {  	[tilespmem:$0x1D310] =	vst v1  }
0x3b: {  	[tilespmem:$0x1D320] =	vst v1  }
0x3c: {  	[tilespmem:$0x1D330] =	vst v1  }
0x3d: {  	[tilespmem:$0x1D340] =	vst v1  }
0x3e: {  	[tilespmem:$0x1D350] =	vst v1  }
0x3f: {  	[tilespmem:$0x1D360] =	vst v1  }
0x40: {  	[tilespmem:$0x1D370] =	vst v1  }
0x41: {  	[tilespmem:$0x1D380] =	vst v1  }
0x42: {  	[tilespmem:$0x1D390] =	vst v1  }
0x43: {  	[tilespmem:$0x1D3A0] =	vst v1  }
0x44: {  	[tilespmem:$0x1D3B0] =	vst v1  }
0x45: {  	[tilespmem:$0x1D3C0] =	vst v1  }
0x46: {  	[tilespmem:$0x1D3D0] =	vst v1  }
0x47: {  	[tilespmem:$0x1D3E0] =	vst v1  }
0x48: {  	[tilespmem:$0x1D3F0] =	vst v1  }
0x49: {  	[tilespmem:$0x1D400] =	vst v1  }
0x4a: {  	[tilespmem:$0x1D410] =	vst v1  }
0x4b: {  	[tilespmem:$0x1D420] =	vst v1  }
0x4c: {  	[tilespmem:$0x1D430] =	vst v1  }
0x4d: {  	[tilespmem:$0x1D440] =	vst v1  }
0x4e: {  	[tilespmem:$0x1D450] =	vst v1  }
0x4f: {  	[tilespmem:$0x1D460] =	vst v1  }
0x50: {  	[tilespmem:$0x1D470] =	vst v1  }
0x51: {  	[tilespmem:$0x1D480] =	vst v1  }
0x52: {  	[tilespmem:$0x1D490] =	vst v1  }
0x53: {  	[tilespmem:$0x1D4A0] =	vst v1  }
0x54: {  	[tilespmem:$0x1D4B0] =	vst v1  }
0x55: {  	[tilespmem:$0x1D4C0] =	vst v1  }
0x56: {  	[tilespmem:$0x1D4D0] =	vst v1  }
0x57: {  	[tilespmem:$0x1D4E0] =	vst v1  }
0x58: {  	[tilespmem:$0x1D4F0] =	vst v1  }
0x59: {  	[tilespmem:$0x1D500] =	vst v1  }
0x5a: {  	[tilespmem:$0x1D510] =	vst v1  }
0x5b: {  	[tilespmem:$0x1D520] =	vst v1  }
0x5c: {  	[tilespmem:$0x1D530] =	vst v1  }
0x5d: {  	[tilespmem:$0x1D540] =	vst v1  }
0x5e: {  	[tilespmem:$0x1D550] =	vst v1  }
0x5f: {  	[tilespmem:$0x1D560] =	vst v1  }
0x60: {  	[tilespmem:$0x1D570] =	vst v1  }
0x61: {  	[tilespmem:$0x1D580] =	vst v1  }
0x62: {  	[tilespmem:$0x1D590] =	vst v1  }
0x63: {  	[tilespmem:$0x1D5A0] =	vst v1  }
0x64: {  	[tilespmem:$0x1D5B0] =	vst v1  }
0x65: {  	[tilespmem:$0x1D5C0] =	vst v1  }
0x66: {  	[tilespmem:$0x1D5D0] =	vst v1  }
0x67: {  	[tilespmem:$0x1D5E0] =	vst v1  }
0x68: {  	[tilespmem:$0x1D5F0] =	vst v1  }
0x69: {  	[tilespmem:$0x1D600] =	vst v1  }
0x6a: {  	[tilespmem:$0x1D610] =	vst v1  }
0x6b: {  	[tilespmem:$0x1D620] =	vst v1  }
0x6c: {  	[tilespmem:$0x1D630] =	vst v1  }
0x6d: {  	[tilespmem:$0x1D640] =	vst v1  }
0x6e: {  	[tilespmem:$0x1D650] =	vst v1  }
0x6f: {  	s3 =	rddreg [dreg:$0x16];
	[tilespmem:$0x1D660] =	vst v1  }
0x70: {  	s15 =	simm.s32 $0x80;
	s16 =	simm.s32 $0x1D200;
	[tilespmem:$0x1D670] =	vst v1;
	s5 =	rddreg [dreg:$0x0]  }
0x71: {  	[tilespmem:s16], [sflag:$0x2] =	stream.indirect.gather [hbm4b:s5+s15], $0x1, s3, s15, $0xb8;
	[tilespmem:$0x1D680] =	vst v63  }
0x72: {  	_ =	swait.ge [sflag:s10], $0x80  }
0x73: {  	[sflag:s10] =	ssyncset.done $0x0  }
0x74: {  	[sflag:s10] =	ssyncadd.s32 $0xFFFFFF80  }
0x75: {  	v9 =	vld [tilespmem:$0x1D200];
	_ =	sdelay $0x6  }
0x76: {  	s13 =	simm.s32 $0x1D280  }
0x77: {  	[tilespmem:v9+s13+$0x0] =	vst.idx.add.s32.msk $0xffff, v2  }
0x78: {  	v9 =	vld [tilespmem:s3+$0x4000];
	_ =	sdelay $0x7  }
0x79: {  	[tilespmem:v9+s13+$0x0] =	vst.idx.add.s32.msk $0xffff, v3  }
0x7a: {  	v9 =	vld [tilespmem:$0x1D210];
	_ =	sdelay $0x7  }
0x7b: {  	[tilespmem:v9+s13+$0x0] =	vst.idx.add.s32.msk $0xffff, v2  }
0x7c: {  	v9 =	vld [tilespmem:s3+$0x4010];
	_ =	sdelay $0x7  }
0x7d: {  	[tilespmem:v9+s13+$0x0] =	vst.idx.add.s32.msk $0xffff, v3  }
0x7e: {  	v9 =	vld [tilespmem:$0x1D220];
	_ =	sdelay $0x7  }
0x7f: {  	[tilespmem:v9+s13+$0x0] =	vst.idx.add.s32.msk $0xffff, v2  }
0x80: {  	v9 =	vld [tilespmem:s3+$0x4020];
	_ =	sdelay $0x7  }
0x81: {  	[tilespmem:v9+s13+$0x0] =	vst.idx.add.s32.msk $0xffff, v3  }
0x82: {  	v9 =	vld [tilespmem:$0x1D230];
	_ =	sdelay $0x7  }
0x83: {  	[tilespmem:v9+s13+$0x0] =	vst.idx.add.s32.msk $0xffff, v2  }
0x84: {  	v9 =	vld [tilespmem:s3+$0x4030];
	_ =	sdelay $0x7  }
0x85: {  	[tilespmem:v9+s13+$0x0] =	vst.idx.add.s32.msk $0xffff, v3  }
0x86: {  	v9 =	vld [tilespmem:$0x1D240];
	_ =	sdelay $0x7  }
0x87: {  	[tilespmem:v9+s13+$0x0] =	vst.idx.add.s32.msk $0xffff, v2  }
0x88: {  	v9 =	vld [tilespmem:s3+$0x4040];
	_ =	sdelay $0x7  }
0x89: {  	[tilespmem:v9+s13+$0x0] =	vst.idx.add.s32.msk $0xffff, v3  }
0x8a: {  	v9 =	vld [tilespmem:$0x1D250];
	_ =	sdelay $0x7  }
0x8b: {  	[tilespmem:v9+s13+$0x0] =	vst.idx.add.s32.msk $0xffff, v2  }
0x8c: {  	v9 =	vld [tilespmem:s3+$0x4050];
	_ =	sdelay $0x7  }
0x8d: {  	[tilespmem:v9+s13+$0x0] =	vst.idx.add.s32.msk $0xffff, v3  }
0x8e: {  	v9 =	vld [tilespmem:$0x1D260];
	_ =	sdelay $0x7  }
0x8f: {  	[tilespmem:v9+s13+$0x0] =	vst.idx.add.s32.msk $0xffff, v2  }
0x90: {  	v9 =	vld [tilespmem:s3+$0x4060];
	_ =	sdelay $0x7  }
0x91: {  	[tilespmem:v9+s13+$0x0] =	vst.idx.add.s32.msk $0xffff, v3  }
0x92: {  	v9 =	vld [tilespmem:$0x1D270];
	_ =	sdelay $0x7  }
0x93: {  	[tilespmem:v9+s13+$0x0] =	vst.idx.add.s32.msk $0xffff, v2  }
0x94: {  	v9 =	vld [tilespmem:s3+$0x4070];
	_ =	sdelay $0x7  }
0x95: {  	s17 =	rddreg [dreg:$0xb];
	[tilespmem:v9+s13+$0x0] =	vst.idx.add.s32.msk $0xffff, v3  }
0x96: {  	[tilespmem:s16], [sflag:$0x2] =	stream.indirect.gather [hbm4b:s5+s15], $0x1, s17, s15, $0xb8;
	[tilespmem:$0x1D680] =	vst v63  }
0x97: {  	_ =	swait.ge [sflag:s10], $0x80  }
0x98: {  	[sflag:s10] =	ssyncset.done $0x0  }
0x99: {  	[sflag:s10] =	ssyncadd.s32 $0xFFFFFF80  }
0x9a: {  	v9 =	vld [tilespmem:$0x1D200];
	_ =	sdelay $0x7  }
0x9b: {  	[tilespmem:v9+s13+$0x0] =	vst.idx.add.s32.msk $0xffff, v2  }
0x9c: {  	v9 =	vld [tilespmem:s17+$0x4000];
	_ =	sdelay $0x7  }
0x9d: {  	[tilespmem:v9+s13+$0x0] =	vst.idx.add.s32.msk $0xffff, v3  }
0x9e: {  	v9 =	vld [tilespmem:$0x1D210];
	_ =	sdelay $0x7  }
0x9f: {  	[tilespmem:v9+s13+$0x0] =	vst.idx.add.s32.msk $0xffff, v2  }
0xa0: {  	v9 =	vld [tilespmem:s3+$0x4090];
	_ =	sdelay $0x7  }
0xa1: {  	[tilespmem:v9+s13+$0x0] =	vst.idx.add.s32.msk $0xffff, v3  }
0xa2: {  	v9 =	vld [tilespmem:$0x1D220];
	_ =	sdelay $0x7  }
0xa3: {  	[tilespmem:v9+s13+$0x0] =	vst.idx.add.s32.msk $0xffff, v2  }
0xa4: {  	v9 =	vld [tilespmem:s17+$0x4020];
	_ =	sdelay $0x7  }
0xa5: {  	[tilespmem:v9+s13+$0x0] =	vst.idx.add.s32.msk $0xffff, v3  }
0xa6: {  	v9 =	vld [tilespmem:$0x1D230];
	_ =	sdelay $0x7  }
0xa7: {  	[tilespmem:v9+s13+$0x0] =	vst.idx.add.s32.msk $0xffff, v2  }
0xa8: {  	v9 =	vld [tilespmem:s3+$0x40B0];
	_ =	sdelay $0x7  }
0xa9: {  	[tilespmem:v9+s13+$0x0] =	vst.idx.add.s32.msk $0xffff, v3  }
0xaa: {  	v9 =	vld [tilespmem:$0x1D240];
	_ =	sdelay $0x7  }
0xab: {  	[tilespmem:v9+s13+$0x0] =	vst.idx.add.s32.msk $0xffff, v2  }
0xac: {  	v9 =	vld [tilespmem:s17+$0x4040];
	_ =	sdelay $0x7  }
0xad: {  	[tilespmem:v9+s13+$0x0] =	vst.idx.add.s32.msk $0xffff, v3  }
0xae: {  	v9 =	vld [tilespmem:$0x1D250];
	_ =	sdelay $0x7  }
0xaf: {  	[tilespmem:v9+s13+$0x0] =	vst.idx.add.s32.msk $0xffff, v2  }
0xb0: {  	v9 =	vld [tilespmem:s3+$0x40D0];
	_ =	sdelay $0x7  }
0xb1: {  	[tilespmem:v9+s13+$0x0] =	vst.idx.add.s32.msk $0xffff, v3  }
0xb2: {  	v9 =	vld [tilespmem:$0x1D260];
	_ =	sdelay $0x7  }
0xb3: {  	[tilespmem:v9+s13+$0x0] =	vst.idx.add.s32.msk $0xffff, v2  }
0xb4: {  	v9 =	vld [tilespmem:s17+$0x4060];
	_ =	sdelay $0x7  }
0xb5: {  	[tilespmem:v9+s13+$0x0] =	vst.idx.add.s32.msk $0xffff, v3  }
0xb6: {  	v9 =	vld [tilespmem:$0x1D270];
	_ =	sdelay $0x7  }
0xb7: {  	[tilespmem:v9+s13+$0x0] =	vst.idx.add.s32.msk $0xffff, v2  }
0xb8: {  	v9 =	vld [tilespmem:s3+$0x40F0];
	_ =	sdelay $0x7  }
0xb9: {  	s18 =	rddreg [dreg:$0xc];
	[tilespmem:v9+s13+$0x0] =	vst.idx.add.s32.msk $0xffff, v3  }
0xba: {  	[tilespmem:s16], [sflag:$0x2] =	stream.indirect.gather [hbm4b:s5+s15], $0x1, s18, s15, $0xb8;
	[tilespmem:$0x1D680] =	vst v63  }
0xbb: {  	_ =	swait.ge [sflag:s10], $0x80  }
0xbc: {  	[sflag:s10] =	ssyncset.done $0x0  }
0xbd: {  	[sflag:s10] =	ssyncadd.s32 $0xFFFFFF80  }
0xbe: {  	v9 =	vld [tilespmem:$0x1D200];
	_ =	sdelay $0x7  }
0xbf: {  	[tilespmem:v9+s13+$0x0] =	vst.idx.add.s32.msk $0xffff, v2  }
0xc0: {  	v9 =	vld [tilespmem:s18+$0x4000];
	_ =	sdelay $0x7  }
0xc1: {  	[tilespmem:v9+s13+$0x0] =	vst.idx.add.s32.msk $0xffff, v3  }
0xc2: {  	v9 =	vld [tilespmem:$0x1D210];
	_ =	sdelay $0x7  }
0xc3: {  	[tilespmem:v9+s13+$0x0] =	vst.idx.add.s32.msk $0xffff, v2  }
0xc4: {  	v9 =	vld [tilespmem:s3+$0x4110];
	_ =	sdelay $0x7  }
0xc5: {  	[tilespmem:v9+s13+$0x0] =	vst.idx.add.s32.msk $0xffff, v3  }
0xc6: {  	v9 =	vld [tilespmem:$0x1D220];
	_ =	sdelay $0x7  }
0xc7: {  	[tilespmem:v9+s13+$0x0] =	vst.idx.add.s32.msk $0xffff, v2  }
0xc8: {  	v9 =	vld [tilespmem:s18+$0x4020];
	_ =	sdelay $0x7  }
0xc9: {  	[tilespmem:v9+s13+$0x0] =	vst.idx.add.s32.msk $0xffff, v3  }
0xca: {  	v9 =	vld [tilespmem:$0x1D230];
	_ =	sdelay $0x7  }
0xcb: {  	[tilespmem:v9+s13+$0x0] =	vst.idx.add.s32.msk $0xffff, v2  }
0xcc: {  	v9 =	vld [tilespmem:s3+$0x4130];
	_ =	sdelay $0x7  }
0xcd: {  	[tilespmem:v9+s13+$0x0] =	vst.idx.add.s32.msk $0xffff, v3  }
0xce: {  	v9 =	vld [tilespmem:$0x1D240];
	_ =	sdelay $0x7  }
0xcf: {  	[tilespmem:v9+s13+$0x0] =	vst.idx.add.s32.msk $0xffff, v2  }
0xd0: {  	v9 =	vld [tilespmem:s18+$0x4040];
	_ =	sdelay $0x7  }
0xd1: {  	[tilespmem:v9+s13+$0x0] =	vst.idx.add.s32.msk $0xffff, v3  }
0xd2: {  	v9 =	vld [tilespmem:$0x1D250];
	_ =	sdelay $0x7  }
0xd3: {  	[tilespmem:v9+s13+$0x0] =	vst.idx.add.s32.msk $0xffff, v2  }
0xd4: {  	v9 =	vld [tilespmem:s3+$0x4150];
	_ =	sdelay $0x7  }
0xd5: {  	[tilespmem:v9+s13+$0x0] =	vst.idx.add.s32.msk $0xffff, v3  }
0xd6: {  	v9 =	vld [tilespmem:$0x1D260];
	_ =	sdelay $0x7  }
0xd7: {  	[tilespmem:v9+s13+$0x0] =	vst.idx.add.s32.msk $0xffff, v2  }
0xd8: {  	v9 =	vld [tilespmem:s18+$0x4060];
	_ =	sdelay $0x7  }
0xd9: {  	[tilespmem:v9+s13+$0x0] =	vst.idx.add.s32.msk $0xffff, v3  }
0xda: {  	v9 =	vld [tilespmem:$0x1D270];
	_ =	sdelay $0x7  }
0xdb: {  	[tilespmem:v9+s13+$0x0] =	vst.idx.add.s32.msk $0xffff, v2  }
0xdc: {  	v9 =	vld [tilespmem:s3+$0x4170];
	_ =	sdelay $0x7  }
0xdd: {  	s4 =	rddreg [dreg:$0xd];
	[tilespmem:v9+s13+$0x0] =	vst.idx.add.s32.msk $0xffff, v3  }
0xde: {  	[tilespmem:s16], [sflag:$0x2] =	stream.indirect.gather [hbm4b:s5+s15], $0x1, s4, s15, $0xb8;
	[tilespmem:$0x1D680] =	vst v63  }
0xdf: {  	_ =	swait.ge [sflag:s10], $0x80  }
0xe0: {  	[sflag:s10] =	ssyncset.done $0x0  }
0xe1: {  	[sflag:s10] =	ssyncadd.s32 $0xFFFFFF80  }
0xe2: {  	v9 =	vld [tilespmem:$0x1D200];
	_ =	sdelay $0x7  }
0xe3: {  	[tilespmem:v9+s13+$0x0] =	vst.idx.add.s32.msk $0xffff, v2  }
0xe4: {  	v9 =	vld [tilespmem:s4+$0x4000];
	_ =	sdelay $0x7  }
0xe5: {  	[tilespmem:v9+s13+$0x0] =	vst.idx.add.s32.msk $0xffff, v3  }
0xe6: {  	v9 =	vld [tilespmem:$0x1D210];
	_ =	sdelay $0x7  }
0xe7: {  	[tilespmem:v9+s13+$0x0] =	vst.idx.add.s32.msk $0xffff, v2  }
0xe8: {  	v9 =	vld [tilespmem:s3+$0x4190];
	_ =	sdelay $0x7  }
0xe9: {  	[tilespmem:v9+s13+$0x0] =	vst.idx.add.s32.msk $0xffff, v3  }
0xea: {  	v9 =	vld [tilespmem:$0x1D220];
	_ =	sdelay $0x7  }
0xeb: {  	[tilespmem:v9+s13+$0x0] =	vst.idx.add.s32.msk $0xffff, v2  }
0xec: {  	v9 =	vld [tilespmem:s4+$0x4020];
	_ =	sdelay $0x7  }
0xed: {  	[tilespmem:v9+s13+$0x0] =	vst.idx.add.s32.msk $0xffff, v3  }
0xee: {  	v9 =	vld [tilespmem:$0x1D230];
	_ =	sdelay $0x7  }
0xef: {  	[tilespmem:v9+s13+$0x0] =	vst.idx.add.s32.msk $0xffff, v2  }
0xf0: {  	v9 =	vld [tilespmem:s3+$0x41B0];
	_ =	sdelay $0x7  }
0xf1: {  	[tilespmem:v9+s13+$0x0] =	vst.idx.add.s32.msk $0xffff, v3  }
0xf2: {  	v9 =	vld [tilespmem:$0x1D240];
	_ =	sdelay $0x7  }
0xf3: {  	[tilespmem:v9+s13+$0x0] =	vst.idx.add.s32.msk $0xffff, v2  }
0xf4: {  	v9 =	vld [tilespmem:s4+$0x4040];
	_ =	sdelay $0x7  }
0xf5: {  	[tilespmem:v9+s13+$0x0] =	vst.idx.add.s32.msk $0xffff, v3  }
0xf6: {  	v9 =	vld [tilespmem:$0x1D250];
	_ =	sdelay $0x7  }
0xf7: {  	[tilespmem:v9+s13+$0x0] =	vst.idx.add.s32.msk $0xffff, v2  }
0xf8: {  	v9 =	vld [tilespmem:s3+$0x41D0];
	_ =	sdelay $0x7  }
0xf9: {  	[tilespmem:v9+s13+$0x0] =	vst.idx.add.s32.msk $0xffff, v3  }
0xfa: {  	v9 =	vld [tilespmem:$0x1D260];
	_ =	sdelay $0x7  }
0xfb: {  	[tilespmem:v9+s13+$0x0] =	vst.idx.add.s32.msk $0xffff, v2  }
0xfc: {  	v9 =	vld [tilespmem:s4+$0x4060];
	_ =	sdelay $0x7  }
0xfd: {  	[tilespmem:v9+s13+$0x0] =	vst.idx.add.s32.msk $0xffff, v3  }
0xfe: {  	v9 =	vld [tilespmem:$0x1D270];
	_ =	sdelay $0x7  }
0xff: {  	[tilespmem:v9+s13+$0x0] =	vst.idx.add.s32.msk $0xffff, v2  }
0x100: {  	v9 =	vld [tilespmem:s3+$0x41F0];
	_ =	sdelay $0x7  }
.Ltmp2:
0x101: {  	s28 =	simm.s32 $0x400;
	s26 =	rddreg [dreg:$0xe];
	[tilespmem:v9+s13+$0x0] =	vst.idx.add.s32.msk $0xffff, v3;
	(pc) =	sbr.rel @p0 .LBB2_11-.Ltmp2, $4  }
0x102: {  	[hbm4b:s26+s15] =	stream.strided.scatter [tilespmem:s13], [sflag:$0x2], $0x400, s28, s15, $0x38;
	[tilespmem:$0x1D680] =	vst v63  }
0x103: {  	_ =	swait.ge [sflag:s10], $0x400  }
0x104: {  	[sflag:s10] =	ssyncset.done $0x0  }
0x105: {  	[sflag:s10] =	ssyncadd.s32 $0xFFFFFC00  }
0x106: {  	s7 =	simm.s32 $0xE020  }
0x107: {  	[tilespmem:s7+$0xFFFFFFE0] =	vst v2  }
0x108: {  	[tilespmem:s7+$0x10] =	vst v2  }
0x109: {  	s15 =	simm.s32 $0x0;
	[tilespmem:s7+$0x0] =	vst v2  }
.LBB2_3:
0x10a: {  	s15 =	sadd.s32 $0x4, s15  }
0x10b: {  	[tilespmem:s7+$0xFFFFFFF0] =	vst v2;
	s7 =	sadd.s32 $0x40, s7;
	p1 =	slt.u32 s15, $0xF4  }
.Ltmp3:
0x10c: {  	[tilespmem:s7+$0xFFFFFFE0] =	vst v2;
	(pc) =	sbr.rel @p1 .LBB2_3-.Ltmp3, $3  }
0x10d: {  	_ =	sdelay $0x1  }
0x10e: {  	[tilespmem:s7+$0x10] =	vst v2  }
0x10f: {  	[tilespmem:s7+$0x0] =	vst v2  }
0x110: {  	[tilespmem:s7+$0xFFFFFFF0] =	vst v2  }
0x111: {  	s7 =	simm.s32 $0xFFFFFFFE;
	[tilespmem:$0xEF80] =	vst v2  }
0x112: {  	s15 =	simm.s32 $0x10;
	s16 =	simm.s32 $0x10;
	s3 =	simm.s32 $0xE000;
	[tilespmem:$0xEF90] =	vst v2  }
.LBB2_5:
0x113: {  	v9 =	vld [tilespmem:s16+$0xFFFFFFF0];
	_ =	sdelay $0x4  }
0x114: {  	v9 =	vsub.s32 v9, v0  }
0x115: {  	s17 =	sadd.s32 $0xFFFFFFF0, s15;
	v10 =	vshll.u32 v9, $0xE  }
0x116: {  	v10 =	vadd.s32 s17, v10  }
0x117: {  	vm2 =	vlt.u32 v9, $0xFA0;
	v9 =	vadd.s32 v4, v10  }
0x118: {  	v9 =	vnsel vm2, $0x7FFFFFFF, v9  }
0x119: {  	(xrf1) =	vsort.ascd.msk.u32 $0xffff, v9, v9;
	_ =	sdelay $0xd  }
0x11a: {  	v9, _, _ =	vpop (xrf1)  }
0x11b: {  	v10 =	vperm.xlane v9, v5;
	_ =	sdelay $0x1  }
0x11c: {  	v11 =	vshrl.u32 v9, $0xE;
	v10 =	vshrl.u32 v10, $0xE  }
0x11d: {  	vm2 =	vne.s32 v11, v10  }
0x11e: {  	vm3 =	vne.s32 v9, $0x7FFFFFFF;
	vm2 =	vmor vm2, vm0  }
0x11f: {  	vm2 =	vmand vm3, vm2  }
0x120: {  	v10 =	vnsel vm2, $0x0, v11;
	_ =	sdelay $0x2  }
0x121: {  	v9 =	vand.u32 $0x3FFF, v9  }
0x122: {  	v9 =	vnsel vm2, $0x0, v9  }
0x123: {  	[tilespmem:v10+s3+$0x0] =	vst.idx.msk vm2, v9  }
0x124: {  	v9 =	vld [tilespmem:s16+$0x0];
	_ =	sdelay $0x4  }
0x125: {  	v9 =	vsub.s32 v9, v0  }
0x126: {  	v10 =	vshll.u32 v9, $0xE  }
0x127: {  	v10 =	vadd.s32 s15, v10  }
0x128: {  	vm2 =	vlt.u32 v9, $0xFA0;
	v9 =	vadd.s32 v4, v10  }
0x129: {  	v9 =	vnsel vm2, $0x7FFFFFFF, v9  }
0x12a: {  	(xrf1) =	vsort.ascd.msk.u32 $0xffff, v9, v9;
	_ =	sdelay $0xd  }
0x12b: {  	v9, _, _ =	vpop (xrf1)  }
0x12c: {  	v10 =	vperm.xlane v9, v5;
	_ =	sdelay $0x1  }
0x12d: {  	v11 =	vshrl.u32 v9, $0xE;
	v10 =	vshrl.u32 v10, $0xE  }
0x12e: {  	vm2 =	vne.s32 v11, v10  }
0x12f: {  	vm3 =	vne.s32 v9, $0x7FFFFFFF;
	vm2 =	vmor vm2, vm0  }
0x130: {  	s7 =	sadd.s32 $0x2, s7;
	vm2 =	vmand vm3, vm2  }
0x131: {  	p1 =	slt.u32 s7, $0x3FE;
	v10 =	vnsel vm2, $0x0, v11  }
.Ltmp4:
0x132: {  	_ = 	snop;
	(pc) =	sbr.rel @p1 .LBB2_5-.Ltmp4, $4  }
0x133: {  	_ = 	snop  }
0x134: {  	v9 =	vand.u32 $0x3FFF, v9  }
0x135: {  	v9 =	vnsel vm2, $0x0, v9  }
0x136: {  	s16 =	sadd.s32 $0x20, s16;
	s15 =	sadd.s32 $0x20, s15;
	[tilespmem:v10+s3+$0x0] =	vst.idx.msk vm2, v9  }
0x137: {  	s7 =	simm.s32 $0x0  }
0x138: {  	s13 =	rddreg [dreg:$0xf];
	s15 =	simm.s32 $0xC000;
	s0 =	simm.s32 $0x2  }
0x139: {  	[tilespmem:s15], [sflag:$0x2] =	stream.linear.gather [hbm4b:s13+s7], $0xFA0, $0x38;
	[tilespmem:$0x1D680] =	vst v63  }
0x13a: {  	_ =	swait.ge [sflag:s0], $0xFA0  }
0x13b: {  	[sflag:s0] =	ssyncset.done $0x0  }
0x13c: {  	s26 =	simm.s32 $0xD000;
	s18 =	rddreg [dreg:$0x10];
	[sflag:s0] =	ssyncadd.s32 $0xFFFFF060  }
0x13d: {  	[tilespmem:s26], [sflag:$0x2] =	stream.linear.gather [hbm4b:s18+s7], $0xFA0, $0x38;
	[tilespmem:$0x1D680] =	vst v63  }
0x13e: {  	_ =	swait.ge [sflag:s0], $0xFA0  }
0x13f: {  	[sflag:s0] =	ssyncset.done $0x0  }
0x140: {  	s28 =	simm.s32 $0x0;
	[sflag:s0] =	ssyncadd.s32 $0xFFFFF060  }
0x141: {  	v9 =	vld [tilespmem:s28+$0xE000];
	_ =	sdelay $0x4  }
0x142: {  	vm2 =	vgt.s32 v9, $0xFFFFFFFF  }
0x143: {  	vm3 =	vgt.s32 v9, $0x0;
	v10 =	vsel vm2, $0x1, v1  }
0x144: {  	v9 =	vnsel vm3, $0x0, v9;
	(xrf0) =	vadd.scan.msk.s32 $0xffff, v10;
	_ =	sdelay $0x2  }
0x145: {  	v13 =	vld [tilespmem:s28+$0xD000]  }
0x146: {  	v10 =	vld [tilespmem:s28+$0xC000]  }
0x147: {  	v11 =	vld.idx.msk [tilespmem:v9+s24+$0x0], vm2  }
0x148: {  	v12 =	vld.idx.msk [tilespmem:v9+s25+$0x0], vm2;
	v14, _, _ =	vpop (xrf0)  }
0x149: {  	(v2sf) =	vpush v14, $0xF;
	_ =	sdelay $0x2  }
0x14a: {  	v10 =	vsel vm2, v11, v10  }
0x14b: {  	[tilespmem:s28+$0xC000] =	vst v10;
	v10 =	vsel vm2, v12, v13  }
0x14c: {  	s16 =	rddreg [dreg:$0x15];
	[tilespmem:s28+$0xD000] =	vst v10  }
0x14d: {  	[tilespmem:s7+$0xF000] =	vst.msk vm2, v9;
	v9 =	vor.u32 s16, v4  }
0x14e: {  	s15 =	simm.s32 $0x10;
	[tilespmem:s7+$0x10080] =	vst.msk vm2, v9  }
0x14f: {  	v9 =	vld [tilespmem:s15+$0xE000];
	_ =	sdelay $0x4  }
0x150: {  	vm2 =	vgt.s32 v9, $0xFFFFFFFF  }
0x151: {  	vm3 =	vgt.s32 v9, $0x0;
	v10 =	vsel vm2, $0x1, v1  }
0x152: {  	s18 =	simm.s32 $0x80;
	v9 =	vnsel vm3, $0x0, v9;
	(xrf0) =	vadd.scan.msk.s32 $0xffff, v10;
	s17 =	spop (v2sf)  }
.LBB2_7:
0x153: {  	s7 =	sadd.s32 s7, s17  }
0x154: {  	s16 =	sadd.s32 $0x10, s16;
	s17 =	smov.u32 s18;
	s13 =	sadd.s32 $0x40, s18  }
0x155: {  	p1 =	sne.s32 s18, $0x3E40  }
0x156: {  	v10 =	vld [tilespmem:s15+$0xC000]  }
0x157: {  	v11 =	vld.idx.msk [tilespmem:v9+s24+$0x0], vm2  }
0x158: {  	v12 =	vld.idx.msk [tilespmem:v9+s25+$0x0], vm2  }
0x159: {  	v13 =	vld [tilespmem:s15+$0xD000];
	v14, _, _ =	vpop (xrf0)  }
0x15a: {  	(v2sf) =	vpush v14, $0xF;
	_ =	sdelay $0x2  }
0x15b: {  	v10 =	vsel vm2, v11, v10  }
0x15c: {  	[tilespmem:s15+$0xC000] =	vst v10;
	v10 =	vsel vm2, v12, v13  }
0x15d: {  	[tilespmem:s15+$0xD000] =	vst v10  }
0x15e: {  	[tilespmem:s7+$0xF000] =	vst.msk vm2, v9;
	v9 =	vor.u32 s16, v4  }
0x15f: {  	s15 =	sshra.s32 s17, $0x2;
	[tilespmem:s7+$0x10080] =	vst.msk vm2, v9  }
0x160: {  	v9 =	vld [tilespmem:s15+$0xE000];
	_ =	sdelay $0x2  }
.Ltmp5:
0x161: {  	(pc) =	sbr.rel @p1 .LBB2_7-.Ltmp5, $4  }
0x162: {  	_ = 	snop  }
0x163: {  	vm2 =	vgt.s32 v9, $0xFFFFFFFF;
	vm3 =	vgt.s32 v9, $0x0  }
0x164: {  	v9 =	vnsel vm3, $0x0, v9;
	v10 =	vsel vm2, $0x1, v1  }
0x165: {  	s18 =	smov.u32 s13;
	(xrf0) =	vadd.scan.msk.s32 $0xffff, v10;
	s17 =	spop (v2sf)  }
0x166: {  	_ =	sdelay $0x4  }
0x167: {  	v10, _, _ =	vpop (xrf0)  }
0x168: {  	(v2sf) =	vpush v10, $0xF;
	_ =	sdelay $0x1  }
0x169: {  	v11 =	vld.idx.msk [tilespmem:v9+s24+$0x0], vm2  }
0x16a: {  	v12 =	vld.idx.msk [tilespmem:v9+s25+$0x0], vm2  }
0x16b: {  	v10 =	vld [tilespmem:s15+$0xC000]  }
0x16c: {  	v13 =	vld [tilespmem:s15+$0xD000];
	_ =	sdelay $0x3  }
0x16d: {  	v10 =	vsel vm2, v11, v10  }
0x16e: {  	[tilespmem:s15+$0xC000] =	vst v10;
	v10 =	vsel vm2, v12, v13  }
0x16f: {  	s7 =	sadd.s32 s7, s17;
	s13 =	sadd.s32 $0x10, s16;
	[tilespmem:s15+$0xD000] =	vst v10  }
0x170: {  	[tilespmem:s7+$0xF000] =	vst.msk vm2, v9;
	v9 =	vor.u32 s13, v4  }
0x171: {  	s4 =	rddreg [dreg:$0x11];
	s5 =	simm.s32 $0xC000;
	[tilespmem:s7+$0x10080] =	vst.msk vm2, v9  }
0x172: {  	[hbm4b:s4+s6] =	stream.linear.scatter [tilespmem:s5], [sflag:$0x2], $0xFA0, $0x38;
	[tilespmem:$0x1D680] =	vst v63  }
0x173: {  	s0 =	simm.s32 $0x2;
	s2 =	spop (v2sf)  }
0x174: {  	_ =	swait.ge [sflag:s0], $0xFA0  }
0x175: {  	[sflag:s0] =	ssyncset.done $0x0  }
0x176: {  	s11 =	simm.s32 $0xD000;
	s10 =	rddreg [dreg:$0x12];
	[sflag:s0] =	ssyncadd.s32 $0xFFFFF060  }
0x177: {  	[hbm4b:s10+s6] =	stream.linear.scatter [tilespmem:s11], [sflag:$0x2], $0xFA0, $0x38;
	[tilespmem:$0x1D680] =	vst v63  }
0x178: {  	_ =	swait.ge [sflag:s0], $0xFA0  }
0x179: {  	[sflag:s0] =	ssyncset.done $0x0  }
0x17a: {  	s17 =	rddreg [dreg:$0x13];
	[sflag:s0] =	ssyncadd.s32 $0xFFFFF060  }
0x17b: {  	[hbm4b:s17+s6] =	stream.linear.scatter [tilespmem:s3], [sflag:$0x2], $0xFA0, $0x38;
	[tilespmem:$0x1D680] =	vst v63  }
0x17c: {  	_ =	swait.ge [sflag:s0], $0xFA0  }
0x17d: {  	s7 =	sadd.s32 s7, s2;
	[sflag:s0] =	ssyncset.done $0x0  }
0x17e: {  	p1 =	slt.s32 s7, $0x1;
	s13 =	sadd.s32 $0x5F, s7;
	[sflag:s0] =	ssyncadd.s32 $0xFFFFF060  }
0x17f: {  	s18 =	smulhi.u32 $0x2AAAAAAB, s13;
	s26 =	sshra.s32 s13, $0x1F;
	v9 =	vld @!p1 [tilespmem:s7+$0xEFFF]  }
0x180: {  	s16 =	smul.u32 $0x2AAAAAAB, s26;
	v10 =	vld @!p1 [tilespmem:s7+$0x1007F];
	_ =	sdelay $0x1  }
0x181: {  	s15 =	sadd.s32 s16, s18  }
0x182: {  	v11 =	vimm.s32 @!p1 $0x0;
	s16 =	sshrl.u32 s15, $0x1F;
	s15 =	sshra.s32 s15, $0x4  }
0x183: {  	s15 =	sadd.s32 s16, s15;
	v9 =	vperm.xlane @!p1 v9, v11  }
0x184: {  	s16 =	smul.u32 $0xFFFFFFA0, s15;
	v10 =	vperm.xlane @!p1 v10, v11  }
0x185: {  	s28 =	ssub.s32 $0xFFFFFFA1, s7;
	[tilespmem:s7+$0xF000] =	vst @!p1 v9  }
0x186: {  	p2 =	slt.s32 s13, $0x1;
	p3 =	sne.s32 s16, s28;
	[tilespmem:s7+$0x10080] =	vst @!p1 v10  }
0x187: {  	p2 =	por !p2, !p3;
	[tilespmem:s7+$0xF010] =	vst @!p1 v9  }
0x188: {  	s13 =	simm.s32 $0x1;
	p2 =	por !p2, !p2;
	[tilespmem:s7+$0x10090] =	vst @!p1 v10  }
0x189: {  	s13 =	simm.s32 @!p2 $0x0;
	[tilespmem:s7+$0xF020] =	vst @!p1 v9  }
0x18a: {  	s15 =	ssub.s32 s15, s13;
	[tilespmem:s7+$0x100A0] =	vst @!p1 v10  }
0x18b: {  	p2 =	slt.s32 s15, $0x1;
	[tilespmem:s7+$0xF030] =	vst @!p1 v9  }
.Ltmp6:
0x18c: {  	[tilespmem:s7+$0x100B0] =	vst @!p1 v10;
	(pc) =	sbr.rel @p2 .LBB2_11-.Ltmp6, $4  }
0x18d: {  	[tilespmem:s7+$0xF040] =	vst @!p1 v9  }
0x18e: {  	s4 =	simm.s32 $0x16A00;
	[tilespmem:s7+$0x100C0] =	vst @!p1 v10  }
0x18f: {  	s5 =	simm.s32 $0x17200;
	s2 =	simm.s32 $0x1AA00;
	s18 =	simm.s32 $0x1B200;
	[tilespmem:s7+$0xF050] =	vst @!p1 v9  }
0x190: {  	s3 =	simm.s32 $0x18200;
	s17 =	simm.s32 $0x1BA00;
	s13 =	simm.s32 $0x1C200;
	[tilespmem:s7+$0x100D0] =	vst @!p1 v10  }
0x191: {  	s7 =	simm.s32 $0x100B0;
	s16 =	simm.s32 $0xF030  }
.LBB2_10:
0x192: {  	v9 =	vld [tilespmem:s16+$0xFFFFFFD0];
	_ =	sdelay $0x4  }
0x193: {  	[tilespmem:$0x11100] =	vst v9  }
0x194: {  	v9 =	vld [tilespmem:s7+$0xFFFFFFD0];
	_ =	sdelay $0x4  }
0x195: {  	[tilespmem:$0x11180] =	vst v9  }
0x196: {  	v9 =	vld [tilespmem:s16+$0xFFFFFFE0];
	_ =	sdelay $0x4  }
0x197: {  	[tilespmem:$0x11110] =	vst v9  }
0x198: {  	v9 =	vld [tilespmem:s7+$0xFFFFFFE0];
	_ =	sdelay $0x4  }
0x199: {  	[tilespmem:$0x11190] =	vst v9  }
0x19a: {  	v9 =	vld [tilespmem:s16+$0xFFFFFFF0];
	_ =	sdelay $0x4  }
0x19b: {  	[tilespmem:$0x11120] =	vst v9  }
0x19c: {  	v9 =	vld [tilespmem:s7+$0xFFFFFFF0];
	_ =	sdelay $0x4  }
0x19d: {  	[tilespmem:$0x111A0] =	vst v9  }
0x19e: {  	v9 =	vld [tilespmem:s16+$0x0];
	_ =	sdelay $0x4  }
0x19f: {  	[tilespmem:$0x11130] =	vst v9  }
0x1a0: {  	v9 =	vld [tilespmem:s7+$0x0];
	_ =	sdelay $0x4  }
0x1a1: {  	[tilespmem:$0x111B0] =	vst v9  }
0x1a2: {  	v9 =	vld [tilespmem:s16+$0x10];
	_ =	sdelay $0x4  }
0x1a3: {  	[tilespmem:$0x11140] =	vst v9  }
0x1a4: {  	v9 =	vld [tilespmem:s7+$0x10];
	_ =	sdelay $0x2  }
0x1a5: {  	v10 =	vld [tilespmem:$0x11100];
	_ =	sdelay $0x1  }
0x1a6: {  	[tilespmem:$0x111C0] =	vst v9  }
0x1a7: {  	v9 =	vld [tilespmem:s16+$0x20];
	_ =	sdelay $0x1  }
0x1a8: {  	v11 =	vshll.u32 v10, $0x2  }
0x1a9: {  	v10 =	vand.u32 $0x7, v10;
	v11 =	vand.u32 $0xFFFFFFE0, v11  }
0x1aa: {  	v10 =	vor.u32 v10, v11  }
0x1ab: {  	[tilespmem:$0x11150] =	vst v9;
	v9 =	vperm.xlane v10, v6  }
0x1ac: {  	v11 =	vld [tilespmem:s7+$0x20]  }
0x1ad: {  	v9 =	vadd.s32 v7, v9;
	_ =	sdelay $0x1  }
0x1ae: {  	v10 =	vperm.xlane v10, v8;
	_ =	sdelay $0x1  }
0x1af: {  	v10 =	vadd.s32 v7, v10;
	[tilespmem:$0x111D0] =	vst v11  }
0x1b0: {  	[tilespmem:s22], [sflag:$0x1] =	stream.indirect_vreg.gather [hbm4b:s1+s6], $0x80, v9, vm1, $0xb8;
	[tilespmem:$0x1D680] =	vst v63  }
0x1b1: {  	s0 =	simm.s32 $0x11A00  }
0x1b2: {  	[tilespmem:s0], [sflag:$0x1] =	stream.indirect_vreg.gather [hbm4b:s19+s6], $0x80, v9, vm1, $0xb8;
	[tilespmem:$0x1D680] =	vst v63  }
0x1b3: {  	s28 =	simm.s32 $0x12200  }
0x1b4: {  	[tilespmem:s28], [sflag:$0x1] =	stream.indirect_vreg.gather [hbm4b:s1+s6], $0x80, v10, vm1, $0xb8;
	[tilespmem:$0x1D680] =	vst v63  }
0x1b5: {  	s28 =	simm.s32 $0x12A00  }
0x1b6: {  	[tilespmem:s28], [sflag:$0x1] =	stream.indirect_vreg.gather [hbm4b:s19+s6], $0x80, v10, vm1, $0xb8;
	[tilespmem:$0x1D680] =	vst v63  }
0x1b7: {  	v9 =	vld [tilespmem:$0x11110];
	_ =	sdelay $0x4  }
0x1b8: {  	v10 =	vshll.u32 v9, $0x2  }
0x1b9: {  	v9 =	vand.u32 $0x7, v9;
	v10 =	vand.u32 $0xFFFFFFE0, v10  }
0x1ba: {  	v9 =	vor.u32 v9, v10  }
0x1bb: {  	v10 =	vperm.xlane v9, v6;
	_ =	sdelay $0x1  }
0x1bc: {  	v10 =	vadd.s32 v7, v10;
	_ =	sdelay $0x1  }
0x1bd: {  	v9 =	vperm.xlane v9, v8;
	_ =	sdelay $0x1  }
0x1be: {  	s26 =	simm.s32 $0x13200;
	v9 =	vadd.s32 v7, v9  }
0x1bf: {  	[tilespmem:s26], [sflag:$0x1] =	stream.indirect_vreg.gather [hbm4b:s1+s6], $0x80, v10, vm1, $0xb8;
	[tilespmem:$0x1D680] =	vst v63  }
0x1c0: {  	s26 =	simm.s32 $0x13A00  }
0x1c1: {  	[tilespmem:s26], [sflag:$0x1] =	stream.indirect_vreg.gather [hbm4b:s19+s6], $0x80, v10, vm1, $0xb8;
	[tilespmem:$0x1D680] =	vst v63  }
0x1c2: {  	s10 =	simm.s32 $0x14200  }
0x1c3: {  	[tilespmem:s10], [sflag:$0x1] =	stream.indirect_vreg.gather [hbm4b:s1+s6], $0x80, v9, vm1, $0xb8;
	[tilespmem:$0x1D680] =	vst v63  }
0x1c4: {  	s10 =	simm.s32 $0x14A00  }
0x1c5: {  	[tilespmem:s10], [sflag:$0x1] =	stream.indirect_vreg.gather [hbm4b:s19+s6], $0x80, v9, vm1, $0xb8;
	[tilespmem:$0x1D680] =	vst v63  }
0x1c6: {  	v9 =	vld [tilespmem:$0x11120];
	_ =	sdelay $0x4  }
0x1c7: {  	v10 =	vshll.u32 v9, $0x2  }
0x1c8: {  	v9 =	vand.u32 $0x7, v9;
	v10 =	vand.u32 $0xFFFFFFE0, v10  }
0x1c9: {  	v9 =	vor.u32 v9, v10  }
0x1ca: {  	v10 =	vperm.xlane v9, v6;
	_ =	sdelay $0x1  }
0x1cb: {  	v10 =	vadd.s32 v7, v10;
	_ =	sdelay $0x1  }
0x1cc: {  	v9 =	vperm.xlane v9, v8;
	_ =	sdelay $0x1  }
0x1cd: {  	s11 =	simm.s32 $0x15200;
	v9 =	vadd.s32 v7, v9  }
0x1ce: {  	[tilespmem:s11], [sflag:$0x1] =	stream.indirect_vreg.gather [hbm4b:s1+s6], $0x80, v10, vm1, $0xb8;
	[tilespmem:$0x1D680] =	vst v63  }
0x1cf: {  	s11 =	simm.s32 $0x15A00  }
0x1d0: {  	[tilespmem:s11], [sflag:$0x1] =	stream.indirect_vreg.gather [hbm4b:s19+s6], $0x80, v10, vm1, $0xb8;
	[tilespmem:$0x1D680] =	vst v63  }
0x1d1: {  	_ = 	snop  }
0x1d2: {  	[tilespmem:s12], [sflag:$0x1] =	stream.indirect_vreg.gather [hbm4b:s1+s6], $0x80, v9, vm1, $0xb8;
	[tilespmem:$0x1D680] =	vst v63  }
0x1d3: {  	_ = 	snop  }
0x1d4: {  	[tilespmem:s4], [sflag:$0x1] =	stream.indirect_vreg.gather [hbm4b:s19+s6], $0x80, v9, vm1, $0xb8;
	[tilespmem:$0x1D680] =	vst v63  }
0x1d5: {  	v9 =	vld [tilespmem:$0x11130];
	_ =	sdelay $0x4  }
0x1d6: {  	v10 =	vshll.u32 v9, $0x2  }
0x1d7: {  	v9 =	vand.u32 $0x7, v9;
	v10 =	vand.u32 $0xFFFFFFE0, v10  }
0x1d8: {  	v9 =	vor.u32 v9, v10  }
0x1d9: {  	v10 =	vperm.xlane v9, v6;
	_ =	sdelay $0x1  }
0x1da: {  	v10 =	vadd.s32 v7, v10;
	_ =	sdelay $0x1  }
0x1db: {  	v9 =	vperm.xlane v9, v8;
	_ =	sdelay $0x1  }
0x1dc: {  	v9 =	vadd.s32 v7, v9  }
0x1dd: {  	[tilespmem:s5], [sflag:$0x1] =	stream.indirect_vreg.gather [hbm4b:s1+s6], $0x80, v10, vm1, $0xb8;
	[tilespmem:$0x1D680] =	vst v63  }
0x1de: {  	_ = 	snop  }
0x1df: {  	[tilespmem:s30], [sflag:$0x1] =	stream.indirect_vreg.gather [hbm4b:s19+s6], $0x80, v10, vm1, $0xb8;
	[tilespmem:$0x1D680] =	vst v63  }
0x1e0: {  	_ = 	snop  }
0x1e1: {  	[tilespmem:s3], [sflag:$0x1] =	stream.indirect_vreg.gather [hbm4b:s1+s6], $0x80, v9, vm1, $0xb8;
	[tilespmem:$0x1D680] =	vst v63  }
0x1e2: {  	_ = 	snop  }
0x1e3: {  	[tilespmem:s14], [sflag:$0x1] =	stream.indirect_vreg.gather [hbm4b:s19+s6], $0x80, v9, vm1, $0xb8;
	[tilespmem:$0x1D680] =	vst v63  }
0x1e4: {  	v9 =	vld [tilespmem:$0x11140];
	_ =	sdelay $0x4  }
0x1e5: {  	v10 =	vshll.u32 v9, $0x2  }
0x1e6: {  	v9 =	vand.u32 $0x7, v9;
	v10 =	vand.u32 $0xFFFFFFE0, v10  }
0x1e7: {  	v9 =	vor.u32 v9, v10  }
0x1e8: {  	v10 =	vperm.xlane v9, v6;
	_ =	sdelay $0x1  }
0x1e9: {  	v10 =	vadd.s32 v7, v10;
	_ =	sdelay $0x1  }
0x1ea: {  	v9 =	vperm.xlane v9, v8;
	_ =	sdelay $0x1  }
0x1eb: {  	v9 =	vadd.s32 v7, v9  }
0x1ec: {  	[tilespmem:s23], [sflag:$0x1] =	stream.indirect_vreg.gather [hbm4b:s1+s6], $0x80, v10, vm1, $0xb8;
	[tilespmem:$0x1D680] =	vst v63  }
0x1ed: {  	_ = 	snop  }
0x1ee: {  	[tilespmem:s31], [sflag:$0x1] =	stream.indirect_vreg.gather [hbm4b:s19+s6], $0x80, v10, vm1, $0xb8;
	[tilespmem:$0x1D680] =	vst v63  }
0x1ef: {  	_ = 	snop  }
0x1f0: {  	[tilespmem:s9], [sflag:$0x1] =	stream.indirect_vreg.gather [hbm4b:s1+s6], $0x80, v9, vm1, $0xb8;
	[tilespmem:$0x1D680] =	vst v63  }
0x1f1: {  	_ = 	snop  }
0x1f2: {  	[tilespmem:s2], [sflag:$0x1] =	stream.indirect_vreg.gather [hbm4b:s19+s6], $0x80, v9, vm1, $0xb8;
	[tilespmem:$0x1D680] =	vst v63  }
0x1f3: {  	v9 =	vld [tilespmem:$0x11150];
	_ =	sdelay $0x4  }
0x1f4: {  	v10 =	vshll.u32 v9, $0x2  }
0x1f5: {  	v9 =	vand.u32 $0x7, v9;
	v10 =	vand.u32 $0xFFFFFFE0, v10  }
0x1f6: {  	v9 =	vor.u32 v9, v10  }
0x1f7: {  	v10 =	vperm.xlane v9, v6;
	_ =	sdelay $0x1  }
0x1f8: {  	v10 =	vadd.s32 v7, v10;
	_ =	sdelay $0x1  }
0x1f9: {  	v9 =	vperm.xlane v9, v8;
	_ =	sdelay $0x1  }
0x1fa: {  	v9 =	vadd.s32 v7, v9  }
0x1fb: {  	[tilespmem:s18], [sflag:$0x1] =	stream.indirect_vreg.gather [hbm4b:s1+s6], $0x80, v10, vm1, $0xb8;
	[tilespmem:$0x1D680] =	vst v63  }
0x1fc: {  	_ = 	snop  }
0x1fd: {  	[tilespmem:s17], [sflag:$0x1] =	stream.indirect_vreg.gather [hbm4b:s19+s6], $0x80, v10, vm1, $0xb8;
	[tilespmem:$0x1D680] =	vst v63  }
0x1fe: {  	_ = 	snop  }
0x1ff: {  	[tilespmem:s13], [sflag:$0x1] =	stream.indirect_vreg.gather [hbm4b:s1+s6], $0x80, v9, vm1, $0xb8;
	[tilespmem:$0x1D680] =	vst v63  }
0x200: {  	_ = 	snop  }
0x201: {  	[tilespmem:s21], [sflag:$0x1] =	stream.indirect_vreg.gather [hbm4b:s19+s6], $0x80, v9, vm1, $0xb8;
	[tilespmem:$0x1D680] =	vst v63  }
0x202: {  	_ =	swait.ge [sflag:s29], $0xC000  }
0x203: {  	[sflag:s29] =	ssyncset.done $0x0  }
0x204: {  	[sflag:s29] =	ssyncadd.s32 $0xFFFF4000  }
0x205: {  	v9 =	vld [tilespmem:$0x11180];
	_ =	sdelay $0x4  }
0x206: {  	v10 =	vshll.u32 v9, $0x2  }
0x207: {  	v9 =	vand.u32 $0x7, v9;
	v10 =	vand.u32 $0xFFFFFFE0, v10  }
0x208: {  	v9 =	vor.u32 v9, v10  }
0x209: {  	v10 =	vperm.xlane v9, v6;
	_ =	sdelay $0x1  }
0x20a: {  	v10 =	vadd.s32 v7, v10;
	_ =	sdelay $0x1  }
0x20b: {  	v9 =	vperm.xlane v9, v8;
	_ =	sdelay $0x1  }
0x20c: {  	v9 =	vadd.s32 v7, v9  }
0x20d: {  	[hbm4b:s8+s6] =	stream.indirect_vreg.scatter [tilespmem:s22], [sflag:$0x1], $0x80, v10, vm1, $0xb8;
	[tilespmem:$0x1D680] =	vst v63  }
0x20e: {  	s0 =	simm.s32 $0x11A00  }
0x20f: {  	[hbm4b:s20+s6] =	stream.indirect_vreg.scatter [tilespmem:s0], [sflag:$0x1], $0x80, v10, vm1, $0xb8;
	[tilespmem:$0x1D680] =	vst v63  }
0x210: {  	s0 =	simm.s32 $0x12200  }
0x211: {  	[hbm4b:s8+s6] =	stream.indirect_vreg.scatter [tilespmem:s0], [sflag:$0x1], $0x80, v9, vm1, $0xb8;
	[tilespmem:$0x1D680] =	vst v63  }
0x212: {  	_ = 	snop  }
0x213: {  	[hbm4b:s20+s6] =	stream.indirect_vreg.scatter [tilespmem:s28], [sflag:$0x1], $0x80, v9, vm1, $0xb8;
	[tilespmem:$0x1D680] =	vst v63  }
0x214: {  	v9 =	vld [tilespmem:$0x11190];
	_ =	sdelay $0x4  }
0x215: {  	v10 =	vshll.u32 v9, $0x2  }
0x216: {  	v9 =	vand.u32 $0x7, v9;
	v10 =	vand.u32 $0xFFFFFFE0, v10  }
0x217: {  	v9 =	vor.u32 v9, v10  }
0x218: {  	v10 =	vperm.xlane v9, v6;
	_ =	sdelay $0x1  }
0x219: {  	v10 =	vadd.s32 v7, v10;
	_ =	sdelay $0x1  }
0x21a: {  	v9 =	vperm.xlane v9, v8;
	_ =	sdelay $0x1  }
0x21b: {  	s0 =	simm.s32 $0x13200;
	v9 =	vadd.s32 v7, v9  }
0x21c: {  	[hbm4b:s8+s6] =	stream.indirect_vreg.scatter [tilespmem:s0], [sflag:$0x1], $0x80, v10, vm1, $0xb8;
	[tilespmem:$0x1D680] =	vst v63  }
0x21d: {  	_ = 	snop  }
0x21e: {  	[hbm4b:s20+s6] =	stream.indirect_vreg.scatter [tilespmem:s26], [sflag:$0x1], $0x80, v10, vm1, $0xb8;
	[tilespmem:$0x1D680] =	vst v63  }
0x21f: {  	s28 =	simm.s32 $0x14200  }
0x220: {  	[hbm4b:s8+s6] =	stream.indirect_vreg.scatter [tilespmem:s28], [sflag:$0x1], $0x80, v9, vm1, $0xb8;
	[tilespmem:$0x1D680] =	vst v63  }
0x221: {  	_ = 	snop  }
0x222: {  	[hbm4b:s20+s6] =	stream.indirect_vreg.scatter [tilespmem:s10], [sflag:$0x1], $0x80, v9, vm1, $0xb8;
	[tilespmem:$0x1D680] =	vst v63  }
0x223: {  	v9 =	vld [tilespmem:$0x111A0];
	_ =	sdelay $0x4  }
0x224: {  	v10 =	vshll.u32 v9, $0x2  }
0x225: {  	v9 =	vand.u32 $0x7, v9;
	v10 =	vand.u32 $0xFFFFFFE0, v10  }
0x226: {  	v9 =	vor.u32 v9, v10  }
0x227: {  	v10 =	vperm.xlane v9, v6;
	_ =	sdelay $0x1  }
0x228: {  	v10 =	vadd.s32 v7, v10;
	_ =	sdelay $0x1  }
0x229: {  	v9 =	vperm.xlane v9, v8;
	_ =	sdelay $0x1  }
0x22a: {  	s28 =	simm.s32 $0x15200;
	v9 =	vadd.s32 v7, v9  }
0x22b: {  	[hbm4b:s8+s6] =	stream.indirect_vreg.scatter [tilespmem:s28], [sflag:$0x1], $0x80, v10, vm1, $0xb8;
	[tilespmem:$0x1D680] =	vst v63  }
0x22c: {  	_ = 	snop  }
0x22d: {  	[hbm4b:s20+s6] =	stream.indirect_vreg.scatter [tilespmem:s11], [sflag:$0x1], $0x80, v10, vm1, $0xb8;
	[tilespmem:$0x1D680] =	vst v63  }
0x22e: {  	_ = 	snop  }
0x22f: {  	[hbm4b:s8+s6] =	stream.indirect_vreg.scatter [tilespmem:s12], [sflag:$0x1], $0x80, v9, vm1, $0xb8;
	[tilespmem:$0x1D680] =	vst v63  }
0x230: {  	_ = 	snop  }
0x231: {  	[hbm4b:s20+s6] =	stream.indirect_vreg.scatter [tilespmem:s4], [sflag:$0x1], $0x80, v9, vm1, $0xb8;
	[tilespmem:$0x1D680] =	vst v63  }
0x232: {  	v9 =	vld [tilespmem:$0x111B0];
	_ =	sdelay $0x4  }
0x233: {  	v10 =	vshll.u32 v9, $0x2  }
0x234: {  	v9 =	vand.u32 $0x7, v9;
	v10 =	vand.u32 $0xFFFFFFE0, v10  }
0x235: {  	v9 =	vor.u32 v9, v10  }
0x236: {  	v10 =	vperm.xlane v9, v6;
	_ =	sdelay $0x1  }
0x237: {  	v10 =	vadd.s32 v7, v10;
	_ =	sdelay $0x1  }
0x238: {  	v9 =	vperm.xlane v9, v8;
	_ =	sdelay $0x1  }
0x239: {  	v9 =	vadd.s32 v7, v9  }
0x23a: {  	[hbm4b:s8+s6] =	stream.indirect_vreg.scatter [tilespmem:s5], [sflag:$0x1], $0x80, v10, vm1, $0xb8;
	[tilespmem:$0x1D680] =	vst v63  }
0x23b: {  	_ = 	snop  }
0x23c: {  	[hbm4b:s20+s6] =	stream.indirect_vreg.scatter [tilespmem:s30], [sflag:$0x1], $0x80, v10, vm1, $0xb8;
	[tilespmem:$0x1D680] =	vst v63  }
0x23d: {  	_ = 	snop  }
0x23e: {  	[hbm4b:s8+s6] =	stream.indirect_vreg.scatter [tilespmem:s3], [sflag:$0x1], $0x80, v9, vm1, $0xb8;
	[tilespmem:$0x1D680] =	vst v63  }
0x23f: {  	_ = 	snop  }
0x240: {  	[hbm4b:s20+s6] =	stream.indirect_vreg.scatter [tilespmem:s14], [sflag:$0x1], $0x80, v9, vm1, $0xb8;
	[tilespmem:$0x1D680] =	vst v63  }
0x241: {  	v9 =	vld [tilespmem:$0x111C0];
	_ =	sdelay $0x4  }
0x242: {  	v10 =	vshll.u32 v9, $0x2  }
0x243: {  	v9 =	vand.u32 $0x7, v9;
	v10 =	vand.u32 $0xFFFFFFE0, v10  }
0x244: {  	v9 =	vor.u32 v9, v10  }
0x245: {  	v10 =	vperm.xlane v9, v6;
	_ =	sdelay $0x1  }
0x246: {  	v10 =	vadd.s32 v7, v10;
	_ =	sdelay $0x1  }
0x247: {  	v9 =	vperm.xlane v9, v8;
	_ =	sdelay $0x1  }
0x248: {  	v9 =	vadd.s32 v7, v9  }
0x249: {  	[hbm4b:s8+s6] =	stream.indirect_vreg.scatter [tilespmem:s23], [sflag:$0x1], $0x80, v10, vm1, $0xb8;
	[tilespmem:$0x1D680] =	vst v63  }
0x24a: {  	_ = 	snop  }
0x24b: {  	[hbm4b:s20+s6] =	stream.indirect_vreg.scatter [tilespmem:s31], [sflag:$0x1], $0x80, v10, vm1, $0xb8;
	[tilespmem:$0x1D680] =	vst v63  }
0x24c: {  	_ = 	snop  }
0x24d: {  	[hbm4b:s8+s6] =	stream.indirect_vreg.scatter [tilespmem:s9], [sflag:$0x1], $0x80, v9, vm1, $0xb8;
	[tilespmem:$0x1D680] =	vst v63  }
0x24e: {  	_ = 	snop  }
0x24f: {  	[hbm4b:s20+s6] =	stream.indirect_vreg.scatter [tilespmem:s2], [sflag:$0x1], $0x80, v9, vm1, $0xb8;
	[tilespmem:$0x1D680] =	vst v63  }
0x250: {  	v9 =	vld [tilespmem:$0x111D0];
	_ =	sdelay $0x4  }
0x251: {  	v10 =	vshll.u32 v9, $0x2  }
0x252: {  	v9 =	vand.u32 $0x7, v9;
	v10 =	vand.u32 $0xFFFFFFE0, v10  }
0x253: {  	v9 =	vor.u32 v9, v10  }
0x254: {  	v10 =	vperm.xlane v9, v6;
	_ =	sdelay $0x1  }
0x255: {  	v10 =	vadd.s32 v7, v10;
	_ =	sdelay $0x1  }
0x256: {  	v9 =	vperm.xlane v9, v8;
	_ =	sdelay $0x1  }
0x257: {  	v9 =	vadd.s32 v7, v9  }
0x258: {  	[hbm4b:s8+s6] =	stream.indirect_vreg.scatter [tilespmem:s18], [sflag:$0x1], $0x80, v10, vm1, $0xb8;
	[tilespmem:$0x1D680] =	vst v63  }
0x259: {  	_ = 	snop  }
0x25a: {  	[hbm4b:s20+s6] =	stream.indirect_vreg.scatter [tilespmem:s17], [sflag:$0x1], $0x80, v10, vm1, $0xb8;
	[tilespmem:$0x1D680] =	vst v63  }
0x25b: {  	p1 =	sne.s32 s15, $0x1  }
0x25c: {  	[hbm4b:s8+s6] =	stream.indirect_vreg.scatter [tilespmem:s13], [sflag:$0x1], $0x80, v9, vm1, $0xb8;
	[tilespmem:$0x1D680] =	vst v63  }
.Ltmp7:
0x25d: {  	_ = 	snop;
	(pc) =	sbr.rel @p1 .LBB2_10-.Ltmp7, $4  }
0x25e: {  	[hbm4b:s20+s6] =	stream.indirect_vreg.scatter [tilespmem:s21], [sflag:$0x1], $0x80, v9, vm1, $0xb8;
	[tilespmem:$0x1D680] =	vst v63  }
0x25f: {  	_ =	swait.ge [sflag:s29], $0xC000  }
0x260: {  	s15 =	sadd.s32 $0xFFFFFFFF, s15;
	[sflag:s29] =	ssyncset.done $0x0  }
0x261: {  	s16 =	sadd.s32 $0x60, s16;
	s7 =	sadd.s32 $0x60, s7;
	[sflag:s29] =	ssyncadd.s32 $0xFFFF4000  }
.Ltmp8:
0x262: {  	_ = 	snop;
	(pc) =	sbr.rel .LBB2_11-.Ltmp8, $1  }
0x263: {  	_ =	sdelay $0x3  }
.LBB2_12:
0x264: {  	_ =	sfence.sel $0x180000  }
0x265: {  	[bflag:$0x0] =	sbarrier.arrive $0xFFFF  }
0x266: {  	_ =	strace $0x90000047  }
0x267: {  	s0 =	stileid.u32;
	[bflag:$0x2] =	sbarrier.arrive $0xFFFF  }
0x268: {  	p0 =	sne.s32 s0, $0x0;
	s0 =	rddreg [dreg:$0xa]  }
0x269: {  	s0 =	sadd.s32 @!p0 $0x100000, s0  }
0x26a: {  	[sflag:s0] =	ssyncadd.tile.s32 @!p0 $0x1;
	_ =	shalt  }
.Lfunc_end2:
_tile_overlayer_lowered:
.L_overlay_start_2:
0x26b: {  	(tag) =	ssettag $0x2  }
0x26c: {  	s0 =	rddreg [dreg:$0x0];
	s2 =	stileid.u32  }
0x26d: {  	s1 =	rddreg [dreg:$0x1];
	p0 =	sne.s32 s2, $0x0  }
0x26e: {  	s3 =	rddreg [dreg:$0x2];
	[bflag:$0x3] =	sbarrier.arrive $0xFFFF;
	s2 =	simm.s32 @!p0 $0x1C02  }
0x26f: {  	[timem:s3], [sflag:s2] =	dma.local @!p0 [hbm:s0], s1  }
0x270: {  	s0 =	simm.s32 @!p0 $0x2  }
0x271: {  	_ =	swait.ge @!p0 [sflag:s0], s1  }
0x272: {  	s1 =	ssub.s32 @!p0 $0x0, s1;
	[sflag:s0] =	ssyncset.done @!p0 $0x0  }
0x273: {  	[sflag:s0] =	ssyncadd.s32 @!p0 s1  }
0x274: {  	[bflag:$0x3] =	sbarrier.arrive $0xFFFF  }
0x275: {  	_ =	shalt  }

// kernel: kernel.8.cloned.1.call-start
scs
__scs_entry_jumppad:
0x0: {  	(pc) =	sbr.rel $0x88, $3  }
0x1: {  	(tag) =	ssettag $0x0;
	lr =	simm.s32 $0x1  }
0x2: {  	[smem:$0x3F99] =	sst lr;
	_ =	strace $0xD0000000  }
0x3: {  	_ = 	snop  }
0x4: {  	_ = 	snop  }
0x5: {  	_ = 	snop  }
0x6: {  	_ = 	snop  }
0x7: {  	_ = 	snop  }
__scs_overlays_trampoline_lowered:
0x8: {  	[smem:$0x3FA8] =	sst s0  }
0x9: {  	[smem:$0x3FA9] =	sst s1  }
0xa: {  	[smem:$0x3FAA] =	sst s2  }
0xb: {  	[smem:$0x3FAB] =	sst s3  }
0xc: {  	[smem:$0x3FAC] =	sst s4  }
0xd: {  	[smem:$0x3FAD] =	sst s5  }
0xe: {  	[smem:$0x3FAE] =	sst s6  }
0xf: {  	[smem:$0x3FAF] =	sst s7  }
0x10: {  	[smem:$0x3FB0] =	sst s8  }
0x11: {  	[smem:$0x3FB1] =	sst s9;
	s0 =	simm.s32 @!p0 $0x0  }
0x12: {  	s1 =	sld [smem:$0x3F97];
	s0 =	simm.s32 @p0 $0x1  }
0x13: {  	[smem:$0x3FB2] =	sst s0;
	s0 =	simm.s32 @!p1 $0x0  }
0x14: {  	s2 =	sld [smem:$0x3F96];
	s0 =	simm.s32 @p1 $0x1  }
0x15: {  	[smem:$0x3FB3] =	sst s0;
	s0 =	simm.s32 @!p2 $0x0  }
0x16: {  	s3 =	sld [smem:$0x3FDB];
	s0 =	simm.s32 @p2 $0x1  }
0x17: {  	s4 =	simm.s32 $0x1BF5;
	[smem:$0x3FB5] =	sst s0  }
0x18: {  	s0 =	sld [smem:$0x3F98];
	_ =	swait.ge [sflag:s4], $0x0  }
0x19: {  	s7 =	sld [smem:$0x3F99]  }
0x1a: {  	s8 =	sadd.s32 $0xFFFFE003, lr  }
0x1b: {  	s9 =	sadd.s32 $0xFFFFFEF7, lr;
	s5 =	simm.s32 $0xFFFFFFFF;
	p2 =	slt.u32 s8, $0xFFFFF086  }
0x1c: {  	p1 =	slt.u32 s9, $0xF7A;
	s5 =	simm.s32 @!p2 $0x0  }
0x1d: {  	s5 =	simm.s32 @p1 $0x1;
	p0 =	seq.s32 s7, s2  }
0x1e: {  	s7 =	smul.u32 @!p0 $0xF7A, s2;
	p2 =	seq.s32 @!p0 s5, $0x0  }
0x1f: {  	s9 =	smul.u32 $0xF7A, s1;
	s8 =	simm.s32 @!p0 $0x1BF5;
	p2 =	por !p2, p0  }
0x20: {  	[sflag:s8] =	ssyncset.s32 @!p0 $0xFFFFF086;
	s6 =	sadd.s32 @!p0 s3, s7;
	s7 =	simm.s32 @!p0 $0x108  }
0x21: {  	s3 =	sadd.s32 s3, s9;
	s6 =	sadd.s32 @!p0 $0x88, s6;
	s7 =	simm.s32 @p2 $0x1082  }
0x22: {  	[simem:s7], [sflag:s8] =	dma.local @!p0 [hbm:s6], $0xF7A  }
0x23: {  	s9 =	sor.u32 $0xD0000000, s2;
	s6 =	simm.s32 $0x108;
	_ =	swait.ge @!p0 [sflag:s8], $0x0  }
0x24: {  	s3 =	sadd.s32 $0x88, s3;
	s6 =	simm.s32 @!p1 $0x1082;
	[sflag:s4] =	ssyncset.s32 $0xFFFFF086  }
0x25: {  	[simem:s6], [sflag:s4] =	dma.local [hbm:s3], $0xF7A  }
0x26: {  	[smem:$0x3F99] =	sst s1;
	(tag) =	ssettag s2;
	_ =	strace s9  }
0x27: {  	s1 =	sld [smem:$0x3FA9]  }
0x28: {  	s2 =	sld [smem:$0x3FAA]  }
0x29: {  	s4 =	sld [smem:$0x3FAC]  }
0x2a: {  	p0 =	seq.s32 s5, $0x0;
	s5 =	sld [smem:$0x3FAD]  }
0x2b: {  	s6 =	sld [smem:$0x3FAE]  }
0x2c: {  	s7 =	sld [smem:$0x3FAF]  }
0x2d: {  	s3 =	simm.s32 $0x108;
	s8 =	sld [smem:$0x3FB0]  }
0x2e: {  	s3 =	simm.s32 @!p0 $0x1082;
	s9 =	sld [smem:$0x3FB1]  }
0x2f: {  	lr =	sadd.s32 s0, s3;
	s0 =	sld [smem:$0x3FA8]  }
0x30: {  	s3 =	sld [smem:$0x3FAB]  }
0x31: {  	[smem:$0x3FB4] =	sst s10  }
0x32: {  	s10 =	sld [smem:$0x3FB2];
	_ =	sdelay $0x3  }
0x33: {  	p0 =	seq.s32 s10, $0x1;
	s10 =	sld [smem:$0x3FB4];
	_ =	sdelay $0x3  }
0x34: {  	[smem:$0x3FB4] =	sst s10  }
0x35: {  	s10 =	sld [smem:$0x3FB3];
	_ =	sdelay $0x3  }
0x36: {  	p1 =	seq.s32 s10, $0x1;
	s10 =	sld [smem:$0x3FB4];
	_ =	sdelay $0x3  }
0x37: {  	[smem:$0x3FB4] =	sst s10  }
0x38: {  	s10 =	sld [smem:$0x3FB5]  }
0x39: {  	_ = 	snop;
	(pc) =	sbr.ind lr, $3  }
0x3a: {  	_ = 	snop  }
0x3b: {  	_ = 	snop  }
0x3c: {  	p2 =	seq.s32 s10, $0x1;
	s10 =	sld [smem:$0x3FB4]  }
0x3d: {  	_ =	shalt  }
0x3e: {  	_ =	shalt  }
0x3f: {  	_ =	shalt  }
0x40: {  	_ =	shalt  }
0x41: {  	_ =	shalt  }
0x42: {  	_ =	shalt  }
0x43: {  	_ =	shalt  }
0x44: {  	_ =	shalt  }
0x45: {  	_ =	shalt  }
0x46: {  	_ =	shalt  }
0x47: {  	_ =	shalt  }
0x48: {  	_ =	shalt  }
0x49: {  	_ =	shalt  }
0x4a: {  	_ =	shalt  }
0x4b: {  	_ =	shalt  }
0x4c: {  	_ =	shalt  }
0x4d: {  	_ =	shalt  }
0x4e: {  	_ =	shalt  }
0x4f: {  	_ =	shalt  }
0x50: {  	_ =	shalt  }
0x51: {  	_ =	shalt  }
0x52: {  	_ =	shalt  }
0x53: {  	_ =	shalt  }
0x54: {  	_ =	shalt  }
0x55: {  	_ =	shalt  }
0x56: {  	_ =	shalt  }
0x57: {  	_ =	shalt  }
0x58: {  	_ =	shalt  }
0x59: {  	_ =	shalt  }
0x5a: {  	_ =	shalt  }
0x5b: {  	_ =	shalt  }
0x5c: {  	_ =	shalt  }
0x5d: {  	_ =	shalt  }
0x5e: {  	_ =	shalt  }
0x5f: {  	_ =	shalt  }
0x60: {  	_ =	shalt  }
0x61: {  	_ =	shalt  }
0x62: {  	_ =	shalt  }
0x63: {  	_ =	shalt  }
0x64: {  	_ =	shalt  }
0x65: {  	_ =	shalt  }
0x66: {  	_ =	shalt  }
0x67: {  	_ =	shalt  }
0x68: {  	_ =	shalt  }
0x69: {  	_ =	shalt  }
0x6a: {  	_ =	shalt  }
0x6b: {  	_ =	shalt  }
0x6c: {  	_ =	shalt  }
0x6d: {  	_ =	shalt  }
0x6e: {  	_ =	shalt  }
0x6f: {  	_ =	shalt  }
0x70: {  	_ =	shalt  }
0x71: {  	_ =	shalt  }
0x72: {  	_ =	shalt  }
0x73: {  	_ =	shalt  }
0x74: {  	_ =	shalt  }
0x75: {  	_ =	shalt  }
0x76: {  	_ =	shalt  }
0x77: {  	_ =	shalt  }
0x78: {  	_ =	shalt  }
0x79: {  	_ =	shalt  }
0x7a: {  	_ =	shalt  }
0x7b: {  	_ =	shalt  }
0x7c: {  	_ =	shalt  }
0x7d: {  	_ =	shalt  }
0x7e: {  	_ =	shalt  }
0x7f: {  	_ =	shalt  }
0x80: {  	_ =	shalt  }
0x81: {  	_ =	shalt  }
0x82: {  	_ =	shalt  }
0x83: {  	_ =	shalt  }
0x84: {  	_ =	shalt  }
0x85: {  	_ =	shalt  }
0x86: {  	_ =	shalt  }
0x87: {  	_ =	shalt  }
.Lfunc_end0:
.L_simem_size_0:
called_computation.1_lowered:
.L_overlay_start_0:
0x88: {  	s2 =	sld [smem:$0x3FD9]  }
0x89: {  	s3 =	sld [smem:$0x3FFE];
	_ =	sdelay $0x1  }
0x8a: {  	s1 =	srdreg.scid  }
0x8b: {  	s0 =	sand.u32 $0x1, s1  }
0x8c: {  	s14 =	sshll.u32 s0, $0xA;
	s2 =	sadd.s32 s3, s2  }
0x8d: {  	s2 =	sadd.s32 s2, s14  }
0x8e: {  	[smem:$0x3FC0] =	sst s2  }
0x8f: {  	_ = 	snop  }
0x90: {  	s2 =	sld [smem:$0x3FD0];
	_ =	sdelay $0x2  }
0x91: {  	s15 =	simm.s32 $0xA;
	s4 =	simm.s32 $0x10  }
0x92: {  	[smem:s4], [sflag:s15] =	dma.local [hbm:s2], $0x1  }
0x93: {  	_ =	swait.eq [sflag:s15], $0x1  }
0x94: {  	[sflag:s15] =	ssyncset.done $0x0  }
0x95: {  	[sflag:s15] =	ssyncadd.s32 $0xFFFFFFFF  }
0x96: {  	s16 =	sld [smem:$0x13];
	(tm) =	ssettm $0x1  }
0x97: {  	s17 =	sld [smem:$0x3FFB];
	_ =	sdelay $0x3  }
0x98: {  	_ =	strace s17  }
0x99: {  	s3 =	sld [smem:$0x3FFC];
	_ =	sdelay $0x3  }
0x9a: {  	_ =	strace s3  }
0x9b: {  	s3 =	sld [smem:$0x3FFD];
	_ =	sdelay $0x3  }
0x9c: {  	_ =	strace s3  }
0x9d: {  	_ =	strace $0x8FFFFFFF  }
0x9e: {  	s18 =	sld [smem:$0x3FDB];
	_ =	sdelay $0x1  }
0x9f: {  	s19 =	simm.s32 $_scs_section_size  }
0xa0: {  	s5 =	simm.s32 $_size__tile_overlayer_lowered;
	s6 =	simm.s32 $_tile_overlayer_lowered  }
0xa1: {  	s22 =	simm.s32 $0x1BFF;
	s21 =	sshll.u32 s6, $0x1;
	s3 =	sadd.s32 s19, s18  }
0xa2: {  	s7 =	simm.s32 $0x0;
	s20 =	sshll.u32 s5, $0x1;
	s5 =	sadd.s32 s21, s3  }
0xa3: {  	[timem:s7], [sflag:s22] =	dma.local [hbm:s5], s20  }
0xa4: {  	_ =	swait.ge [sflag:s22], s20  }
0xa5: {  	s4 =	ssub.s32 $0x0, s20;
	[sflag:s22] =	ssyncset.done $0x0  }
0xa6: {  	[sflag:s22] =	ssyncadd.s32 s4;
	_ =	sdelay $0x1  }
0xa7: {  	s23 =	simm.s32 $0x1B8B  }
0xa8: {  	_ =	swait.ge [sflag:s23], $0x1  }
0xa9: {  	[sflag:s23] =	ssyncset.done $0x0  }
0xaa: {  	s25 =	simm.s32 $0x1B8E;
	s24 =	sld [smem:$0x3FFE];
	[sflag:s23] =	ssyncadd.s32 $0xFFFFFFFF  }
0xab: {  	s26 =	simm.s32 $execute0_lowered;
	[smem:$0x3FD2] =	sst s25  }
0xac: {  	s5 =	sshll.u32 s26, $0x1;
	_ =	strace $0x80000049;
	[dreg:$0x1] =	wrdreg $0xFFFFFFFF  }
0xad: {  	s28 =	simm.s32 $_size_execute0_lowered;
	s3 =	sadd.s32 s3, s5;
	[dreg:$0x0] =	wrdreg $0x0  }
0xae: {  	s5 =	sshll.u32 s28, $0x1;
	[dreg:$0x2] =	wrdreg s3  }
0xaf: {  	[dreg:$0x3] =	wrdreg s5  }
0xb0: {  	[dreg:$0x4] =	wrdreg $0xC0  }
0xb1: {  	_ =	task [dreg:s7], $0x5FFFF  }
0xb2: {  	[dreg:$0x1] =	wrdreg $0xFFFFFFFF  }
0xb3: {  	[dreg:$0x0] =	wrdreg $0x60  }
0xb4: {  	[dreg:$0x2] =	wrdreg s24  }
0xb5: {  	[dreg:$0x3] =	wrdreg s16  }
0xb6: {  	[dreg:$0x4] =	wrdreg $0x9  }
0xb7: {  	_ =	task.clear_ibuf [dreg:s7], $0x5FFFF;
	_ =	strace $0x90000049  }
0xb8: {  	s29 =	simm.s32 $0x9;
	_ =	strace $0x8000004B  }
0xb9: {  	_ =	swait.ge [sflag:s29], $0x1  }
0xba: {  	[sflag:s29] =	ssyncadd.s32 $0xFFFFFFFF  }
0xbb: {  	_ =	strace $0x9000004B  }
0xbc: {  	_ =	sfence  }
0xbd: {  	s30 =	sld [smem:$0x0];
	_ =	sdelay $0x2  }
0xbe: {  	s31 =	sshll.u32 s1, $0xD;
	s1 =	sshrl.u32 s1, $0x2  }
0xbf: {  	s3 =	sand.u32 $0x4000, s31;
	s1 =	sadd.s32 s1, s30  }
0xc0: {  	s0 =	sor.u32 s3, s0;
	s1 =	sshll.u32 s1, $0x11  }
0xc1: {  	s0 =	sor.u32 s1, s0  }
0xc2: {  	s0 =	sadd.s32 $0x8F2B, s0  }
0xc3: {  	[sflag:s0] =	ssyncadd.remote.s32 $0x1  }
0xc4: {  	_ =	sfence.sel $0xFFFF  }
0xc5: {  	[dreg:$0x0] =	wrdreg $0xFFFFFFFF;
	(pc) =	sbr.abs _section_cstart, $3  }
0xc6: {  	[dreg:$0x1] =	wrdreg $0xFFFFFFFF  }
0xc7: {  	_ =	task.clear_ibuf [dreg:s7], $0x2FFFF;
	_ =	strace $0x9FFFFFFF  }
0xc8: {  	(tm) =	ssettm $0x7FFFFFFF  }
0xc9: {  	_ =	shalt  }
tec
execute0_lowered:
.L_overlay_start_1:
0x0: {  	(tag) =	ssettag $0x1  }
0x1: {  	s4 =	rddreg [dreg:$0x0]  }
0x2: {  	s6 =	rddreg [dreg:$0x1]  }
0x3: {  	s0 =	rddreg [dreg:$0x2]  }
0x4: {  	s2 =	simm.s32 $0x0;
	s3 =	srdreg.scid;
	s1 =	stileid.u32  }
0x5: {  	[smem:$0x7FF] =	sst s2;
	s5 =	sand.u32 $0x1, s3;
	s3 =	sadd.s32 $0x61B400, s4  }
0x6: {  	s7 =	sshll.u32 s1, $0x6;
	s30 =	sshll.u32 s1, $0x9;
	s8 =	sshll.u32 s5, $0x5  }
0x7: {  	_ =	strace $0x8000004A;
	s5 =	ssub.s32 $0x2, s5;
	s7 =	sor.u32 s8, s7  }
0x8: {  	s10 =	sshrl.u32 s5, $0x1;
	s8 =	simm.s32 $0x1;
	s9 =	sshrl.u32 s7, $0x3  }
0x9: {  	s7 =	sor.u32 s30, s7;
	s10 =	ssub.s32 s5, s10;
	s31 =	sadd.s32 s9, s4  }
0xa: {  	s4 =	sand.u32 $0x1C60, s7;
	s6 =	sadd.s32 s6, s9;
	s7 =	smax.u32 s10, $0x1  }
0xb: {  	s9 =	simm.s32 $0x80;
	s10 =	simm.s32 $0x0;
	s5 =	sadd.s32 $0x61C400, s31  }
.LBB2_1:
0xc: {  	s11 =	sand.u32 $0x6000, s2  }
0xd: {  	s12 =	sand.u32 $0x380, s2;
	s11 =	sor.u32 s11, s4  }
0xe: {  	s11 =	sor.u32 s12, s11  }
0xf: {  	s29 =	simm.s32 $0x400;
	s11 =	sshrl.u32 s11, $0x3  }
0x10: {  	s31 =	simm.s32 $0x80;
	s30 =	sand.u32 $0x6000, s29;
	s11 =	sadd.s32 s3, s11  }
0x11: {  	[tilespmem:s2], [sflag:$0x1] =	stream.linear.gather [hbm4b:s11+s2], $0x20, $0x38;
	[tilespmem:$0x100] =	vst v63  }
0x12: {  	s12 =	sand.u32 $0x380, s31;
	s11 =	sor.u32 s30, s4;
	_ =	swait.ge [sflag:s8], $0x20  }
0x13: {  	s11 =	sor.u32 s12, s11;
	[sflag:s8] =	ssyncset.done $0x0  }
0x14: {  	s13 =	simm.s32 $0x800;
	s11 =	sshrl.u32 s11, $0x3;
	[sflag:s8] =	ssyncadd.s32 $0xFFFFFFE0  }
0x15: {  	s14 =	sand.u32 $0x6000, s13;
	s11 =	sadd.s32 s3, s11;
	v0 =	vld [tilespmem:$0x10]  }
0x16: {  	v1 =	vld [tilespmem:$0x0];
	[tilespmem:s2], [sflag:$0x1] =	stream.linear.gather [hbm4b:s11+s2], $0x20, $0x38  }
0x17: {  	s14 =	sor.u32 s14, s4;
	s11 =	simm.s32 $0x100;
	_ =	swait.ge [sflag:s8], $0x20  }
0x18: {  	v2 =	vimm.s32 $0x0;
	v3 =	vimm.s32 $0x0;
	s12 =	simm.s32 $0xC00;
	s13 =	sand.u32 $0x380, s11;
	[sflag:s8] =	ssyncset.done $0x0  }
.LBB2_2:
0x19: {  	s13 =	sor.u32 s13, s14;
	[sflag:s8] =	ssyncadd.s32 $0xFFFFFFE0  }
0x1a: {  	v2 =	vadd.s32 v2, v0;
	s14 =	smov.u32 s12;
	s15 =	sadd.s32 $0x400, s12;
	p0 =	sne.s32 s12, $0x7C00  }
.Ltmp0:
0x1b: {  	s12 =	sshrl.u32 s13, $0x3;
	v0 =	vld [tilespmem:$0x10];
	v3 =	vadd.s32 v3, v1;
	(pc) =	sbr.rel @p0 .LBB2_2-.Ltmp0, $4  }
0x1c: {  	s11 =	sadd.s32 $0x80, s11;
	s12 =	sadd.s32 s3, s12;
	v1 =	vld [tilespmem:$0x0]  }
0x1d: {  	[tilespmem:s2], [sflag:$0x1] =	stream.linear.gather [hbm4b:s12+s2], $0x20, $0x38;
	[tilespmem:$0x100] =	vst v63  }
0x1e: {  	s13 =	sand.u32 $0x380, s11;
	s12 =	sand.u32 $0x6000, s14;
	_ =	swait.ge [sflag:s8], $0x20  }
0x1f: {  	s14 =	sor.u32 s12, s4;
	s12 =	smov.u32 s15;
	[sflag:s8] =	ssyncset.done $0x0  }
0x20: {  	s11 =	sor.u32 s13, s14  }
0x21: {  	[sflag:s8] =	ssyncadd.s32 $0xFFFFFFE0;
	s11 =	sshrl.u32 s11, $0x3  }
0x22: {  	v4 =	vld [tilespmem:$0x10];
	s11 =	sadd.s32 s3, s11  }
0x23: {  	v5 =	vld [tilespmem:$0x0];
	[tilespmem:s2], [sflag:$0x1] =	stream.linear.gather [hbm4b:s11+s2], $0x20, $0x38  }
0x24: {  	_ =	swait.ge [sflag:s8], $0x20  }
0x25: {  	[sflag:s8] =	ssyncset.done $0x0  }
0x26: {  	[sflag:s8] =	ssyncadd.s32 $0xFFFFFFE0  }
0x27: {  	v6 =	vld [tilespmem:$0x10]  }
0x28: {  	v7 =	vld [tilespmem:$0x0];
	[tilespmem:s9], [sflag:$0x1] =	stream.linear.gather [hbm4b:s5+s2], $0x20, $0x38  }
0x29: {  	_ =	swait.ge [sflag:s8], $0x20  }
0x2a: {  	[sflag:s8] =	ssyncset.done $0x0  }
0x2b: {  	[sflag:s8] =	ssyncadd.s32 $0xFFFFFFE0  }
0x2c: {  	v8 =	vld [tilespmem:$0x80]  }
0x2d: {  	v9 =	vld [tilespmem:$0x90]  }
0x2e: {  	v1 =	vadd.s32 v3, v1  }
0x2f: {  	v0 =	vadd.s32 v2, v0;
	v1 =	vadd.s32 v1, v5  }
0x30: {  	v0 =	vadd.s32 v0, v4;
	v1 =	vadd.s32 v1, v7  }
0x31: {  	s10 =	sadd.s32 $0x1, s10;
	v0 =	vadd.s32 v0, v6;
	v1 =	vadd.s32 v1, v8  }
0x32: {  	p0 =	sne.s32 s10, s7;
	v0 =	vadd.s32 v0, v9;
	[tilespmem:$0x80] =	vst v1  }
.Ltmp1:
0x33: {  	[tilespmem:$0x90] =	vst v0;
	(pc) =	sbr.rel @p0 .LBB2_1-.Ltmp1, $4  }
0x34: {  	[hbm4b:s6+s2] =	stream.linear.scatter [tilespmem:s9], [sflag:$0x1], $0x20, $0x38;
	[tilespmem:$0x100] =	vst v63  }
0x35: {  	_ =	swait.ge [sflag:s8], $0x20  }
0x36: {  	[sflag:s8] =	ssyncset.done $0x0  }
0x37: {  	[sflag:s8] =	ssyncadd.s32 $0xFFFFFFE0  }
0x38: {  	_ =	sfence.sel $0x180000  }
0x39: {  	[bflag:$0x0] =	sbarrier.arrive $0xFFFF  }
0x3a: {  	p0 =	sne.s32 s1, $0x0;
	_ =	strace $0x9000004A  }
0x3b: {  	s0 =	sadd.s32 @!p0 $0x100000, s0;
	[bflag:$0x2] =	sbarrier.arrive $0xFFFF  }
0x3c: {  	[sflag:s0] =	ssyncadd.tile.s32 @!p0 $0x1;
	_ =	shalt  }
.Lfunc_end2:
_tile_overlayer_lowered:
.L_overlay_start_2:
0x3d: {  	(tag) =	ssettag $0x2  }
0x3e: {  	s0 =	rddreg [dreg:$0x0];
	s2 =	stileid.u32  }
0x3f: {  	s1 =	rddreg [dreg:$0x1];
	p0 =	sne.s32 s2, $0x0  }
0x40: {  	s3 =	rddreg [dreg:$0x2];
	[bflag:$0x3] =	sbarrier.arrive $0xFFFF;
	s2 =	simm.s32 @!p0 $0x1C01  }
0x41: {  	[timem:s3], [sflag:s2] =	dma.local @!p0 [hbm:s0], s1  }
0x42: {  	s0 =	simm.s32 @!p0 $0x1  }
0x43: {  	_ =	swait.ge @!p0 [sflag:s0], s1  }
0x44: {  	s1 =	ssub.s32 @!p0 $0x0, s1;
	[sflag:s0] =	ssyncset.done @!p0 $0x0  }
0x45: {  	[sflag:s0] =	ssyncadd.s32 @!p0 s1  }
0x46: {  	[bflag:$0x3] =	sbarrier.arrive $0xFFFF  }
0x47: {  	_ =	shalt  }

</sc_bundles>
